<compile_context>
chip_gen: v7x
topology: tpu7x:2x2x1
jax: 0.10.2.dev20260603
libtpu: 0.0.44.dev20260713+nightly
codegen_flags: <defaults>
</compile_context>

<pallas_src>
import functools

import jax
import jax.numpy as jnp
from jax import lax
from jax.experimental import pallas as pl
from jax.experimental.pallas import tpu as pltpu
from jax.experimental.pallas import tpu_sc as plsc

N_NODES = 10000
D_FEAT = 128
HIDDEN = 128
N_CLASSES = 64
N_EDGES = 320000

NC = 2
NS = 16
CHUNK = 128
NSTEPS = 80
E_PAD = NC * NS * NSTEPS * CHUNK
N0 = NSTEPS
N1 = 2 * NSTEPS - N0
ROWS_PAD = 10240
RPT = ROWS_PAD // NS
_MESH = dict(core_axis_name="c", subcore_axis_name="s", num_cores=NC,
             num_subcores=NS)



_EPT = NSTEPS * CHUNK


def _deg_body(dst_hbm, dp_hbm, dst_v, deg_v):
    c = lax.axis_index("c")
    s = lax.axis_index("s")
    wid = c * NS + s
    pltpu.sync_copy(dst_hbm.at[c, s], dst_v)
    zeros16 = jnp.zeros((16,), jnp.float32)

    def zstep(i, carry):
        deg_v[pl.ds(i * 16, 16)] = zeros16
        return carry

    lax.fori_loop(0, ROWS_PAD // 16, zstep, 0)
    ones16 = jnp.ones((16,), jnp.float32)

    def step(t, carry):
        idx = dst_v[pl.ds(t * 16, 16)]
        plsc.addupdate_scatter(deg_v, [idx], ones16)
        return carry

    lax.fori_loop(0, _EPT // 16, step, 0)
    pltpu.sync_copy(deg_v, dp_hbm.at[wid])


_deg_kernel = functools.partial(
    pl.kernel,
    out_type=jax.ShapeDtypeStruct((NC * NS, ROWS_PAD), jnp.float32),
    mesh=plsc.VectorSubcoreMesh(**_MESH),
    compiler_params=pltpu.CompilerParams(needs_layout_passes=False),
    scratch_types=[
        pltpu.VMEM((_EPT,), jnp.int32),
        pltpu.VMEM((ROWS_PAD,), jnp.float32),
    ],
)(_deg_body)


def _prop_body(g_hbm, e_hbm, out_hbm,
               ia, ib, rows_a, rows_b, sem_ia, sem_ib, sem_a, sem_b, acc):
    c = lax.axis_index("c")
    s = lax.axis_index("s")

    zeros16 = jnp.zeros((16,), jnp.float32)

    def zstep(i, carry):
        rows_a[i // 8, pl.ds((i % 8) * 16, 16)] = zeros16
        return carry

    lax.fori_loop(0, CHUNK * 8, zstep, 0)
    for k in range(RPT // CHUNK):
        pltpu.sync_copy(rows_a, acc.at[pl.ds(s * RPT + k * CHUNK, CHUNK)])

    nst = jnp.where(c == 0, N0, N1)

    pltpu.async_copy(e_hbm.at[c, s, 0], ia, sem_ia)
    pltpu.async_copy(e_hbm.at[c, s, 1], ib, sem_ib)
    pltpu.make_async_copy(e_hbm.at[c, s, 0], ia, sem_ia).wait()
    pltpu.async_copy(g_hbm.at[ia.at[0]], rows_a, sem_a)
    pltpu.make_async_copy(e_hbm.at[c, s, 1], ib, sem_ib).wait()
    pltpu.async_copy(g_hbm.at[ib.at[0]], rows_b, sem_b)
    plsc.subcore_barrier()

    def step(i, carry):
        t = 2 * i
        pltpu.make_async_copy(g_hbm.at[ia.at[0]], rows_a, sem_a).wait()
        pltpu.sync_copy(rows_a, acc.at[ia.at[1]], add=True)
        pltpu.async_copy(e_hbm.at[c, s, t + 2], ia, sem_ia)
        pltpu.make_async_copy(e_hbm.at[c, s, t + 2], ia, sem_ia).wait()
        pltpu.async_copy(g_hbm.at[ia.at[0]], rows_a, sem_a)
        pltpu.make_async_copy(g_hbm.at[ib.at[0]], rows_b, sem_b).wait()
        pltpu.sync_copy(rows_b, acc.at[ib.at[1]], add=True)
        pltpu.async_copy(e_hbm.at[c, s, t + 3], ib, sem_ib)
        pltpu.make_async_copy(e_hbm.at[c, s, t + 3], ib, sem_ib).wait()
        pltpu.async_copy(g_hbm.at[ib.at[0]], rows_b, sem_b)
        return carry

    lax.fori_loop(0, nst // 2 - 1, step, 0)
    pltpu.make_async_copy(g_hbm.at[ia.at[0]], rows_a, sem_a).wait()
    pltpu.sync_copy(rows_a, acc.at[ia.at[1]], add=True)
    pltpu.make_async_copy(g_hbm.at[ib.at[0]], rows_b, sem_b).wait()
    pltpu.sync_copy(rows_b, acc.at[ib.at[1]], add=True)

    plsc.subcore_barrier()
    pltpu.sync_copy(acc.at[pl.ds(s * RPT, RPT)],
                    out_hbm.at[c, pl.ds(s * RPT, RPT)])


_prop_kernel = functools.partial(
    pl.kernel,
    out_type=jax.ShapeDtypeStruct((NC, ROWS_PAD, HIDDEN), jnp.float32),
    mesh=plsc.VectorSubcoreMesh(**_MESH),
    scratch_types=[
        pltpu.VMEM((2, CHUNK), jnp.int32),
        pltpu.VMEM((2, CHUNK), jnp.int32),
        pltpu.VMEM((CHUNK, HIDDEN), jnp.float32),
        pltpu.VMEM((CHUNK, HIDDEN), jnp.float32),
        pltpu.SemaphoreType.DMA,
        pltpu.SemaphoreType.DMA,
        pltpu.SemaphoreType.DMA,
        pltpu.SemaphoreType.DMA,
        pltpu.VMEM_SHARED((ROWS_PAD, HIDDEN), jnp.float32),
    ],
)(_prop_body)



_RB = 1280
_GRID = ROWS_PAD // _RB


def _dinv_of(dp_ref):
    deg = jnp.sum(dp_ref[...], axis=0) + 1.0
    return lax.rsqrt(deg)


def _mm_scale_body(x_ref, w_ref, dp_ref, g_ref):
    dinv = _dinv_of(dp_ref)
    g_ref[...] = jnp.dot(x_ref[...], w_ref[...],
                         preferred_element_type=jnp.float32) * dinv[:, None]


def _combine_mm_body(p_ref, g_ref, dp_ref, b_ref, w_ref, o_ref):
    dinv = _dinv_of(dp_ref)
    h = (p_ref[0] + p_ref[1] + g_ref[...]) * dinv[:, None] + b_ref[...]
    h = jnp.maximum(h, 0.0)
    o_ref[...] = jnp.dot(h, w_ref[...],
                         preferred_element_type=jnp.float32) * dinv[:, None]


def _head_body(p_ref, g_ref, dp_ref, b_ref, w_ref, bo_ref, o_ref):
    dinv = _dinv_of(dp_ref)
    h = (p_ref[0] + p_ref[1] + g_ref[...]) * dinv[:, None] + b_ref[...]
    h = jnp.maximum(h, 0.0)
    o_ref[...] = jnp.dot(h, w_ref[...],
                         preferred_element_type=jnp.float32) + bo_ref[...]


def _row_spec(width):
    return pl.BlockSpec((_RB, width), lambda i: (i, 0))


_DP_SPEC = pl.BlockSpec((NC * NS, _RB), lambda i: (0, i))
_P_SPEC = pl.BlockSpec((NC, _RB, HIDDEN), lambda i: (0, i, 0))


def _full(shape):
    return pl.BlockSpec(shape, lambda i: tuple(0 for _ in shape))


_mm_scale = pl.pallas_call(
    _mm_scale_body,
    grid=(_GRID,),
    in_specs=[_row_spec(D_FEAT), _full((D_FEAT, HIDDEN)), _DP_SPEC],
    out_specs=_row_spec(HIDDEN),
    out_shape=jax.ShapeDtypeStruct((ROWS_PAD, HIDDEN), jnp.float32),
)

_combine_mm = pl.pallas_call(
    _combine_mm_body,
    grid=(_GRID,),
    in_specs=[_P_SPEC, _row_spec(HIDDEN), _DP_SPEC, _full((1, HIDDEN)),
              _full((HIDDEN, HIDDEN))],
    out_specs=_row_spec(HIDDEN),
    out_shape=jax.ShapeDtypeStruct((ROWS_PAD, HIDDEN), jnp.float32),
)

_head = pl.pallas_call(
    _head_body,
    grid=(_GRID,),
    in_specs=[_P_SPEC, _row_spec(HIDDEN), _DP_SPEC, _full((1, HIDDEN)),
              _full((HIDDEN, N_CLASSES)), _full((1, N_CLASSES))],
    out_specs=_row_spec(N_CLASSES),
    out_shape=jax.ShapeDtypeStruct((ROWS_PAD, N_CLASSES), jnp.float32),
)



def kernel(x, edge_index, W1, b1, W2, b2, W_out, b_out):
    ei = edge_index.astype(jnp.int32)
    pad = E_PAD - N_EDGES
    src = jnp.concatenate([ei[0], jnp.zeros((pad,), jnp.int32)])
    pad_dst = N_NODES + (jnp.arange(pad, dtype=jnp.int32)
                         % (ROWS_PAD - N_NODES))
    dst = jnp.concatenate([ei[1], pad_dst])

    cap0 = NS * N0 * CHUNK
    e0 = jnp.stack([src[:cap0].reshape(NS, N0, CHUNK),
                    dst[:cap0].reshape(NS, N0, CHUNK)], axis=2)
    e1 = jnp.stack([src[cap0:].reshape(NS, N1, CHUNK),
                    dst[cap0:].reshape(NS, N1, CHUNK)], axis=2)
    e0 = jnp.pad(e0, ((0, 0), (0, N1 - N0), (0, 0), (0, 0)))
    e5 = jnp.stack([e0, e1])

    dp = _deg_kernel(dst.reshape(NC, NS, _EPT))

    x_p = jnp.pad(x, ((0, ROWS_PAD - N_NODES), (0, 0)))
    g1 = _mm_scale(x_p, W1, dp)
    p1 = _prop_kernel(g1, e5)
    g2 = _combine_mm(p1, g1, dp, b1.reshape(1, HIDDEN), W2)
    p2 = _prop_kernel(g2, e5)
    out = _head(p2, g2, dp, b2.reshape(1, HIDDEN), W_out,
                b_out.reshape(1, N_CLASSES))
    return out[:N_NODES]

# --- scband reference (transcript-rebuilt; emitter-appended) ---
"""Pipeline reference for scband-gcn-48850958024707 (READ-ONLY COPY).

The authoritative reference and input builder live on the scoring server;
editing this copy changes nothing except your own understanding.
"""

import jax, jax.numpy as jnp
import numpy as np

N_NODES = 10000
D_FEAT = 128
HIDDEN = 128
N_CLASSES = 64
N_EDGES = 320000


def gcn_conv(x, edge_index, W, b, num_nodes):
    # GCNConv with symmetric normalization and self-loops (PyG default)
    src = edge_index[0]
    dst = edge_index[1]
    loop = jnp.arange(num_nodes, dtype=edge_index.dtype)
    src = jnp.concatenate([src, loop])
    dst = jnp.concatenate([dst, loop])
    deg = jnp.zeros((num_nodes,), dtype=x.dtype).at[dst].add(1.0)
    dinv = jnp.where(deg > 0, jax.lax.rsqrt(deg), 0.0)
    norm = dinv[src] * dinv[dst]
    h = x @ W
    msg = h[src] * norm[:, None]
    out = jnp.zeros((num_nodes, W.shape[1]), dtype=x.dtype).at[dst].add(msg)
    return out + b


def setup_inputs(seed: int = 0) -> dict:
    key = jax.random.key(seed)
    k = jax.random.split(key, 8)
    x = jax.random.normal(k[0], (N_NODES, D_FEAT), dtype=jnp.float32)
    edge_index = jax.random.randint(k[1], (2, N_EDGES), 0, N_NODES, dtype=jnp.int64)
    s1 = 1.0 / np.sqrt(D_FEAT)
    s2 = 1.0 / np.sqrt(HIDDEN)
    W1 = jax.random.uniform(k[2], (D_FEAT, HIDDEN), jnp.float32, -s1, s1)
    b1 = jnp.zeros((HIDDEN,), jnp.float32)
    W2 = jax.random.uniform(k[3], (HIDDEN, HIDDEN), jnp.float32, -s2, s2)
    b2 = jnp.zeros((HIDDEN,), jnp.float32)
    W_out = jax.random.uniform(k[4], (HIDDEN, N_CLASSES), jnp.float32, -s2, s2)
    b_out = jax.random.uniform(k[5], (N_CLASSES,), jnp.float32, -s2, s2)
    return {"x": x, "edge_index": edge_index, "W1": W1, "b1": b1, "W2": W2, "b2": b2, "W_out": W_out, "b_out": b_out}


def reference(x, edge_index, W1, b1, W2, b2, W_out, b_out):
    # conv1 -> relu -> (dropout=identity in eval) -> conv2 -> relu -> linear
    h = gcn_conv(x, edge_index, W1, b1, N_NODES)
    h = jax.nn.relu(h)
    h = gcn_conv(h, edge_index, W2, b2, N_NODES)
    h = jax.nn.relu(h)
    out = h @ W_out + b_out
    return out

if __name__ == "__main__":
    import jax
    _d = setup_inputs()
    print(jax.jit(kernel)(*tuple(_d.values())))

</pallas_src>

<mosaic_0001>
#map = affine_map<(d0, d1) -> (0, 0)>
#map1 = affine_map<(d0, d1) -> (0, 0, 0, 0, 0)>
#map2 = affine_map<(d0, d1) -> (0, 0, 0)>
module attributes {stable_mosaic.version = 14 : i64} {
  func.func @_prop_body(%arg0: i32, %arg1: i32, %arg2: memref<10240x128xf32, #tpu.memory_space<hbm>>, %arg3: memref<2x16x80x2x128xi32, #tpu.memory_space<hbm>>, %arg4: memref<2x10240x128xf32, #tpu.memory_space<hbm>>, %arg5: memref<2x128xi32, #tpu.memory_space<vmem>>, %arg6: memref<2x128xi32, #tpu.memory_space<vmem>>, %arg7: memref<128x128xf32, #tpu.memory_space<vmem>>, %arg8: memref<128x128xf32, #tpu.memory_space<vmem>>, %arg9: memref<!tpu.dma_semaphore, #tpu.memory_space<semaphore_mem>>, %arg10: memref<!tpu.dma_semaphore, #tpu.memory_space<semaphore_mem>>, %arg11: memref<!tpu.dma_semaphore, #tpu.memory_space<semaphore_mem>>, %arg12: memref<!tpu.dma_semaphore, #tpu.memory_space<semaphore_mem>>, %arg13: memref<10240x128xf32, #tpu.memory_space<vmem_shared>>) attributes {dimension_semantics = [#tpu.dimension_semantics<core_parallel>, #tpu.dimension_semantics<subcore_parallel>], iteration_bounds = array<i64: 2, 16>, scalar_prefetch = 0 : i64, scratch_operands = 9 : i64, tpu.core_type = #tpu.core_type<sc_vector_subcore>, window_params = [{transform_indices = #map}, {transform_indices = #map1}, {transform_indices = #map2}]} {
    %broadcast_in_dim3A = arith.constant 0.000000e+00 : f32
    %broadcast_in_dim3A_0 = vector.broadcast %broadcast_in_dim3A : f32 to vector<16xf32>
    %scan3A = arith.constant 0 : i32
    %scan3A_1 = arith.constant 0 : i32
    %scan3A_2 = arith.constant 1024 : i32
    %scan3A_3 = arith.addi %scan3A_1, %scan3A_2 : i32
    %scan3A_4 = arith.constant 1 : i32
    scf.for %scan3A_123 = %scan3A_1 to %scan3A_3 step %scan3A_4  : i32 {
      %jit3A_124 = arith.constant 8 : i32
      %div3A_125 = arith.divsi %scan3A_123, %jit3A_124 : i32
      %sign3A_126 = arith.constant 0 : i32
      %sign3A_127 = arith.cmpi sgt, %scan3A_123, %sign3A_126 : i32
      %sign3A_128 = arith.extui %sign3A_127 : i1 to i32
      %sign3A_129 = arith.constant 0 : i32
      %sign3A_130 = arith.cmpi slt, %scan3A_123, %sign3A_129 : i32
      %sign3A_131 = arith.extui %sign3A_130 : i1 to i32
      %sign3A_132 = arith.subi %sign3A_128, %sign3A_131 : i32
      %sign3A_133 = arith.constant 0 : i32
      %sign3A_134 = arith.cmpi sgt, %jit3A_124, %sign3A_133 : i32
      %sign3A_135 = arith.extui %sign3A_134 : i1 to i32
      %sign3A_136 = arith.constant 0 : i32
      %sign3A_137 = arith.cmpi slt, %jit3A_124, %sign3A_136 : i32
      %sign3A_138 = arith.extui %sign3A_137 : i1 to i32
      %sign3A_139 = arith.subi %sign3A_135, %sign3A_138 : i32
      %ne3A_140 = arith.cmpi ne, %sign3A_132, %sign3A_139 : i32
      %rem3A_141 = arith.remsi %scan3A_123, %jit3A_124 : i32
      %ne3A_142 = arith.constant 0 : i32
      %ne3A_143 = arith.cmpi ne, %rem3A_141, %ne3A_142 : i32
      %and3A_144 = arith.andi %ne3A_140, %ne3A_143 : i1
      %sub3A_145 = arith.constant 1 : i32
      %sub3A_146 = arith.subi %div3A_125, %sub3A_145 : i32
      %select_n3A_147 = arith.select %and3A_144, %sub3A_146, %div3A_125 : i32
      %jit3A_148 = arith.constant 8 : i32
      %eq3A_149 = arith.constant 0 : i32
      %eq3A_150 = arith.cmpi eq, %jit3A_148, %eq3A_149 : i32
      %jit3A_151 = arith.constant 1 : i32
      %select_n3A_152 = arith.select %eq3A_150, %jit3A_151, %jit3A_148 : i32
      %rem3A_153 = arith.remsi %scan3A_123, %select_n3A_152 : i32
      %ne3A_154 = arith.constant 0 : i32
      %ne3A_155 = arith.cmpi ne, %rem3A_153, %ne3A_154 : i32
      %lt3A = arith.constant 0 : i32
      %lt3A_156 = arith.cmpi slt, %rem3A_153, %lt3A : i32
      %lt3A_157 = arith.constant 0 : i32
      %lt3A_158 = arith.cmpi slt, %select_n3A_152, %lt3A_157 : i32
      %ne3A_159 = arith.xori %lt3A_156, %lt3A_158 : i1
      %and3A_160 = arith.andi %ne3A_159, %ne3A_155 : i1
      %add3A_161 = arith.addi %rem3A_153, %select_n3A_152 : i32
      %select_n3A_162 = arith.select %and3A_160, %add3A_161, %rem3A_153 : i32
      %mul3A_163 = arith.constant 16 : i32
      %mul3A_164 = arith.muli %select_n3A_162, %mul3A_163 : i32
      %swap3A = arith.index_cast %select_n3A_147 : i32 to index
      %swap3A_165 = arith.index_cast %mul3A_164 : i32 to index
      %swap3A_166 = tpu.vector_load %arg7[%swap3A, %swap3A_165] {strides = array<i32>} : memref<128x128xf32, #tpu.memory_space<vmem>>, vector<1x16xf32>,
      %swap3A_167 = vector.shape_cast %swap3A_166 : vector<1x16xf32> to vector<16xf32>
      %swap3A_168 = vector.shape_cast %broadcast_in_dim3A_0 : vector<16xf32> to vector<1x16xf32>
      tpu.vector_store %arg7[%swap3A, %swap3A_165], %swap3A_168 {strides = array<i32>} : memref<128x128xf32, #tpu.memory_space<vmem>>, vector<1x16xf32>,
    }
    %scan3A_5 = arith.constant 1024 : i32
    %mul3A = arith.constant 640 : i32
    %mul3A_6 = arith.muli %arg1, %mul3A : i32
    %add3A = arith.constant 0 : i32
    %add3A_7 = arith.addi %mul3A_6, %add3A : i32
    "tpu.region"() ({
      %run_scoped3A_123 = tpu.sem_alloc : memref<!tpu.dma_semaphore, #tpu.memory_space<semaphore_mem>>
      %dma_start3A_124 = arith.constant 0 : i32
      %dma_start3A_125 = tpu.memref_slice %arg13[%add3A_7, %dma_start3A_124] : memref<10240x128xf32, #tpu.memory_space<vmem_shared>> -> memref<128x128xf32, #tpu.memory_space<vmem_shared>>
      %dma_start3A_126 = arith.constant 0 : i32
      %dma_start3A_127 = tpu.memref_slice %arg13[%add3A_7, %dma_start3A_126] : memref<10240x128xf32, #tpu.memory_space<vmem_shared>> -> memref<128x128xf32, #tpu.memory_space<vmem_shared>>
      tpu.enqueue_dma source(%arg7 : memref<128x128xf32, #tpu.memory_space<vmem>>) target(%dma_start3A_127 : memref<128x128xf32, #tpu.memory_space<vmem_shared>>) target_semaphore(%run_scoped3A_123 : memref<!tpu.dma_semaphore, #tpu.memory_space<semaphore_mem>>)
      %dma_wait3A_128 = arith.constant 0 : i32
      %dma_wait3A_129 = tpu.memref_slice %arg13[%add3A_7, %dma_wait3A_128] : memref<10240x128xf32, #tpu.memory_space<vmem_shared>> -> memref<128x128xf32, #tpu.memory_space<vmem_shared>>
      %dma_wait3A_130 = arith.constant 0 : i32
      %dma_wait3A_131 = tpu.memref_slice %arg13[%add3A_7, %dma_wait3A_130] : memref<10240x128xf32, #tpu.memory_space<vmem_shared>> -> memref<128x128xf32, #tpu.memory_space<vmem_shared>>
      tpu.wait_dma2 semaphore(%run_scoped3A_123 : memref<!tpu.dma_semaphore, #tpu.memory_space<semaphore_mem>>) src(%arg7 : memref<128x128xf32, #tpu.memory_space<vmem>>) dst(%dma_wait3A_131 : memref<128x128xf32, #tpu.memory_space<vmem_shared>>)
      tpu.yield
    }) : () -> ()
    %mul3A_8 = arith.constant 640 : i32
    %mul3A_9 = arith.muli %arg1, %mul3A_8 : i32
    %add3A_10 = arith.constant 128 : i32
    %add3A_11 = arith.addi %mul3A_9, %add3A_10 : i32
    "tpu.region"() ({
      %run_scoped3A_123 = tpu.sem_alloc : memref<!tpu.dma_semaphore, #tpu.memory_space<semaphore_mem>>
      %dma_start3A_124 = arith.constant 0 : i32
      %dma_start3A_125 = tpu.memref_slice %arg13[%add3A_11, %dma_start3A_124] : memref<10240x128xf32, #tpu.memory_space<vmem_shared>> -> memref<128x128xf32, #tpu.memory_space<vmem_shared>>
      %dma_start3A_126 = arith.constant 0 : i32
      %dma_start3A_127 = tpu.memref_slice %arg13[%add3A_11, %dma_start3A_126] : memref<10240x128xf32, #tpu.memory_space<vmem_shared>> -> memref<128x128xf32, #tpu.memory_space<vmem_shared>>
      tpu.enqueue_dma source(%arg7 : memref<128x128xf32, #tpu.memory_space<vmem>>) target(%dma_start3A_127 : memref<128x128xf32, #tpu.memory_space<vmem_shared>>) target_semaphore(%run_scoped3A_123 : memref<!tpu.dma_semaphore, #tpu.memory_space<semaphore_mem>>)
      %dma_wait3A_128 = arith.constant 0 : i32
      %dma_wait3A_129 = tpu.memref_slice %arg13[%add3A_11, %dma_wait3A_128] : memref<10240x128xf32, #tpu.memory_space<vmem_shared>> -> memref<128x128xf32, #tpu.memory_space<vmem_shared>>
      %dma_wait3A_130 = arith.constant 0 : i32
      %dma_wait3A_131 = tpu.memref_slice %arg13[%add3A_11, %dma_wait3A_130] : memref<10240x128xf32, #tpu.memory_space<vmem_shared>> -> memref<128x128xf32, #tpu.memory_space<vmem_shared>>
      tpu.wait_dma2 semaphore(%run_scoped3A_123 : memref<!tpu.dma_semaphore, #tpu.memory_space<semaphore_mem>>) src(%arg7 : memref<128x128xf32, #tpu.memory_space<vmem>>) dst(%dma_wait3A_131 : memref<128x128xf32, #tpu.memory_space<vmem_shared>>)
      tpu.yield
    }) : () -> ()
    %mul3A_12 = arith.constant 640 : i32
    %mul3A_13 = arith.muli %arg1, %mul3A_12 : i32
    %add3A_14 = arith.constant 256 : i32
    %add3A_15 = arith.addi %mul3A_13, %add3A_14 : i32
    "tpu.region"() ({
      %run_scoped3A_123 = tpu.sem_alloc : memref<!tpu.dma_semaphore, #tpu.memory_space<semaphore_mem>>
      %dma_start3A_124 = arith.constant 0 : i32
      %dma_start3A_125 = tpu.memref_slice %arg13[%add3A_15, %dma_start3A_124] : memref<10240x128xf32, #tpu.memory_space<vmem_shared>> -> memref<128x128xf32, #tpu.memory_space<vmem_shared>>
      %dma_start3A_126 = arith.constant 0 : i32
      %dma_start3A_127 = tpu.memref_slice %arg13[%add3A_15, %dma_start3A_126] : memref<10240x128xf32, #tpu.memory_space<vmem_shared>> -> memref<128x128xf32, #tpu.memory_space<vmem_shared>>
      tpu.enqueue_dma source(%arg7 : memref<128x128xf32, #tpu.memory_space<vmem>>) target(%dma_start3A_127 : memref<128x128xf32, #tpu.memory_space<vmem_shared>>) target_semaphore(%run_scoped3A_123 : memref<!tpu.dma_semaphore, #tpu.memory_space<semaphore_mem>>)
      %dma_wait3A_128 = arith.constant 0 : i32
      %dma_wait3A_129 = tpu.memref_slice %arg13[%add3A_15, %dma_wait3A_128] : memref<10240x128xf32, #tpu.memory_space<vmem_shared>> -> memref<128x128xf32, #tpu.memory_space<vmem_shared>>
      %dma_wait3A_130 = arith.constant 0 : i32
      %dma_wait3A_131 = tpu.memref_slice %arg13[%add3A_15, %dma_wait3A_130] : memref<10240x128xf32, #tpu.memory_space<vmem_shared>> -> memref<128x128xf32, #tpu.memory_space<vmem_shared>>
      tpu.wait_dma2 semaphore(%run_scoped3A_123 : memref<!tpu.dma_semaphore, #tpu.memory_space<semaphore_mem>>) src(%arg7 : memref<128x128xf32, #tpu.memory_space<vmem>>) dst(%dma_wait3A_131 : memref<128x128xf32, #tpu.memory_space<vmem_shared>>)
      tpu.yield
    }) : () -> ()
    %mul3A_16 = arith.constant 640 : i32
    %mul3A_17 = arith.muli %arg1, %mul3A_16 : i32
    %add3A_18 = arith.constant 384 : i32
    %add3A_19 = arith.addi %mul3A_17, %add3A_18 : i32
    "tpu.region"() ({
      %run_scoped3A_123 = tpu.sem_alloc : memref<!tpu.dma_semaphore, #tpu.memory_space<semaphore_mem>>
      %dma_start3A_124 = arith.constant 0 : i32
      %dma_start3A_125 = tpu.memref_slice %arg13[%add3A_19, %dma_start3A_124] : memref<10240x128xf32, #tpu.memory_space<vmem_shared>> -> memref<128x128xf32, #tpu.memory_space<vmem_shared>>
      %dma_start3A_126 = arith.constant 0 : i32
      %dma_start3A_127 = tpu.memref_slice %arg13[%add3A_19, %dma_start3A_126] : memref<10240x128xf32, #tpu.memory_space<vmem_shared>> -> memref<128x128xf32, #tpu.memory_space<vmem_shared>>
      tpu.enqueue_dma source(%arg7 : memref<128x128xf32, #tpu.memory_space<vmem>>) target(%dma_start3A_127 : memref<128x128xf32, #tpu.memory_space<vmem_shared>>) target_semaphore(%run_scoped3A_123 : memref<!tpu.dma_semaphore, #tpu.memory_space<semaphore_mem>>)
      %dma_wait3A_128 = arith.constant 0 : i32
      %dma_wait3A_129 = tpu.memref_slice %arg13[%add3A_19, %dma_wait3A_128] : memref<10240x128xf32, #tpu.memory_space<vmem_shared>> -> memref<128x128xf32, #tpu.memory_space<vmem_shared>>
      %dma_wait3A_130 = arith.constant 0 : i32
      %dma_wait3A_131 = tpu.memref_slice %arg13[%add3A_19, %dma_wait3A_130] : memref<10240x128xf32, #tpu.memory_space<vmem_shared>> -> memref<128x128xf32, #tpu.memory_space<vmem_shared>>
      tpu.wait_dma2 semaphore(%run_scoped3A_123 : memref<!tpu.dma_semaphore, #tpu.memory_space<semaphore_mem>>) src(%arg7 : memref<128x128xf32, #tpu.memory_space<vmem>>) dst(%dma_wait3A_131 : memref<128x128xf32, #tpu.memory_space<vmem_shared>>)
      tpu.yield
    }) : () -> ()
    %mul3A_20 = arith.constant 640 : i32
    %mul3A_21 = arith.muli %arg1, %mul3A_20 : i32
    %add3A_22 = arith.constant 512 : i32
    %add3A_23 = arith.addi %mul3A_21, %add3A_22 : i32
    "tpu.region"() ({
      %run_scoped3A_123 = tpu.sem_alloc : memref<!tpu.dma_semaphore, #tpu.memory_space<semaphore_mem>>
      %dma_start3A_124 = arith.constant 0 : i32
      %dma_start3A_125 = tpu.memref_slice %arg13[%add3A_23, %dma_start3A_124] : memref<10240x128xf32, #tpu.memory_space<vmem_shared>> -> memref<128x128xf32, #tpu.memory_space<vmem_shared>>
      %dma_start3A_126 = arith.constant 0 : i32
      %dma_start3A_127 = tpu.memref_slice %arg13[%add3A_23, %dma_start3A_126] : memref<10240x128xf32, #tpu.memory_space<vmem_shared>> -> memref<128x128xf32, #tpu.memory_space<vmem_shared>>
      tpu.enqueue_dma source(%arg7 : memref<128x128xf32, #tpu.memory_space<vmem>>) target(%dma_start3A_127 : memref<128x128xf32, #tpu.memory_space<vmem_shared>>) target_semaphore(%run_scoped3A_123 : memref<!tpu.dma_semaphore, #tpu.memory_space<semaphore_mem>>)
      %dma_wait3A_128 = arith.constant 0 : i32
      %dma_wait3A_129 = tpu.memref_slice %arg13[%add3A_23, %dma_wait3A_128] : memref<10240x128xf32, #tpu.memory_space<vmem_shared>> -> memref<128x128xf32, #tpu.memory_space<vmem_shared>>
      %dma_wait3A_130 = arith.constant 0 : i32
      %dma_wait3A_131 = tpu.memref_slice %arg13[%add3A_23, %dma_wait3A_130] : memref<10240x128xf32, #tpu.memory_space<vmem_shared>> -> memref<128x128xf32, #tpu.memory_space<vmem_shared>>
      tpu.wait_dma2 semaphore(%run_scoped3A_123 : memref<!tpu.dma_semaphore, #tpu.memory_space<semaphore_mem>>) src(%arg7 : memref<128x128xf32, #tpu.memory_space<vmem>>) dst(%dma_wait3A_131 : memref<128x128xf32, #tpu.memory_space<vmem_shared>>)
      tpu.yield
    }) : () -> ()
    %eq3A = arith.constant 0 : i32
    %eq3A_24 = arith.cmpi eq, %arg0, %eq3A : i32
    %jit3A = arith.constant 80 : i32
    %jit3A_25 = arith.constant 80 : i32
    %select_n3A = arith.select %eq3A_24, %jit3A, %jit3A_25 : i32
    %dma_start3A = arith.constant 0 : i32
    %dma_start3A_26 = arith.constant 0 : i32
    %dma_start3A_27 = arith.constant 0 : i32
    %dma_start3A_28 = tpu.memref_slice %arg3[%arg0, %arg1, %dma_start3A, %dma_start3A_26, %dma_start3A_27] : memref<2x16x80x2x128xi32, #tpu.memory_space<hbm>> -> memref<1x1x1x2x128xi32, #tpu.memory_space<hbm>>
    %dma_start3A_29 = tpu.memref_squeeze %dma_start3A_28 : memref<1x1x1x2x128xi32, #tpu.memory_space<hbm>> -> memref<2x128xi32, #tpu.memory_space<hbm>>
    %dma_start3A_30 = arith.constant 0 : i32
    %dma_start3A_31 = arith.constant 0 : i32
    %dma_start3A_32 = tpu.memref_slice %arg3[%arg0, %arg1, %dma_start3A, %dma_start3A_30, %dma_start3A_31] : memref<2x16x80x2x128xi32, #tpu.memory_space<hbm>> -> memref<1x1x1x2x128xi32, #tpu.memory_space<hbm>>
    %dma_start3A_33 = tpu.memref_squeeze %dma_start3A_32 : memref<1x1x1x2x128xi32, #tpu.memory_space<hbm>> -> memref<2x128xi32, #tpu.memory_space<hbm>>
    tpu.enqueue_dma source(%dma_start3A_33 : memref<2x128xi32, #tpu.memory_space<hbm>>) target(%arg5 : memref<2x128xi32, #tpu.memory_space<vmem>>) target_semaphore(%arg9 : memref<!tpu.dma_semaphore, #tpu.memory_space<semaphore_mem>>)
    %dma_start3A_34 = arith.constant 1 : i32
    %dma_start3A_35 = arith.constant 0 : i32
    %dma_start3A_36 = arith.constant 0 : i32
    %dma_start3A_37 = tpu.memref_slice %arg3[%arg0, %arg1, %dma_start3A_34, %dma_start3A_35, %dma_start3A_36] : memref<2x16x80x2x128xi32, #tpu.memory_space<hbm>> -> memref<1x1x1x2x128xi32, #tpu.memory_space<hbm>>
    %dma_start3A_38 = tpu.memref_squeeze %dma_start3A_37 : memref<1x1x1x2x128xi32, #tpu.memory_space<hbm>> -> memref<2x128xi32, #tpu.memory_space<hbm>>
    %dma_start3A_39 = arith.constant 0 : i32
    %dma_start3A_40 = arith.constant 0 : i32
    %dma_start3A_41 = tpu.memref_slice %arg3[%arg0, %arg1, %dma_start3A_34, %dma_start3A_39, %dma_start3A_40] : memref<2x16x80x2x128xi32, #tpu.memory_space<hbm>> -> memref<1x1x1x2x128xi32, #tpu.memory_space<hbm>>
    %dma_start3A_42 = tpu.memref_squeeze %dma_start3A_41 : memref<1x1x1x2x128xi32, #tpu.memory_space<hbm>> -> memref<2x128xi32, #tpu.memory_space<hbm>>
    tpu.enqueue_dma source(%dma_start3A_42 : memref<2x128xi32, #tpu.memory_space<hbm>>) target(%arg6 : memref<2x128xi32, #tpu.memory_space<vmem>>) target_semaphore(%arg10 : memref<!tpu.dma_semaphore, #tpu.memory_space<semaphore_mem>>)
    %dma_wait3A = arith.constant 0 : i32
    %dma_wait3A_43 = arith.constant 0 : i32
    %dma_wait3A_44 = arith.constant 0 : i32
    %dma_wait3A_45 = tpu.memref_slice %arg3[%arg0, %arg1, %dma_wait3A, %dma_wait3A_43, %dma_wait3A_44] : memref<2x16x80x2x128xi32, #tpu.memory_space<hbm>> -> memref<1x1x1x2x128xi32, #tpu.memory_space<hbm>>
    %dma_wait3A_46 = tpu.memref_squeeze %dma_wait3A_45 : memref<1x1x1x2x128xi32, #tpu.memory_space<hbm>> -> memref<2x128xi32, #tpu.memory_space<hbm>>
    %dma_wait3A_47 = arith.constant 0 : i32
    %dma_wait3A_48 = arith.constant 0 : i32
    %dma_wait3A_49 = tpu.memref_slice %arg3[%arg0, %arg1, %dma_wait3A, %dma_wait3A_47, %dma_wait3A_48] : memref<2x16x80x2x128xi32, #tpu.memory_space<hbm>> -> memref<1x1x1x2x128xi32, #tpu.memory_space<hbm>>
    %dma_wait3A_50 = tpu.memref_squeeze %dma_wait3A_49 : memref<1x1x1x2x128xi32, #tpu.memory_space<hbm>> -> memref<2x128xi32, #tpu.memory_space<hbm>>
    tpu.wait_dma2 semaphore(%arg9 : memref<!tpu.dma_semaphore, #tpu.memory_space<semaphore_mem>>) src(%dma_wait3A_50 : memref<2x128xi32, #tpu.memory_space<hbm>>) dst(%arg5 : memref<2x128xi32, #tpu.memory_space<vmem>>)
    %dma_start3A_51 = arith.constant 0 : i32
    %dma_start3A_52 = arith.constant 0 : i32
    %dma_start3A_53 = tpu.memref_slice %arg5[%dma_start3A_51, %dma_start3A_52] : memref<2x128xi32, #tpu.memory_space<vmem>> -> memref<1x128xi32, #tpu.memory_space<vmem>>
    %dma_start3A_54 = tpu.memref_squeeze %dma_start3A_53 : memref<1x128xi32, #tpu.memory_space<vmem>> -> memref<128xi32, #tpu.memory_space<vmem>>
    %dma_start3A_55 = arith.constant 0 : i32
    %dma_start3A_56 = arith.constant 0 : i32
    %dma_start3A_57 = tpu.memref_slice %arg2[%dma_start3A_55, %dma_start3A_56] : memref<10240x128xf32, #tpu.memory_space<hbm>> -> memref<10240x128xf32, #tpu.memory_space<hbm>>
    tpu.enqueue_indirect_dma source(%dma_start3A_57 : memref<10240x128xf32, #tpu.memory_space<hbm>>) target(%arg7 : memref<128x128xf32, #tpu.memory_space<vmem>>) offsets(%dma_start3A_54 : memref<128xi32, #tpu.memory_space<vmem>>) semaphore(%arg11 : memref<!tpu.dma_semaphore, #tpu.memory_space<semaphore_mem>>)
    %dma_wait3A_58 = arith.constant 1 : i32
    %dma_wait3A_59 = arith.constant 0 : i32
    %dma_wait3A_60 = arith.constant 0 : i32
    %dma_wait3A_61 = tpu.memref_slice %arg3[%arg0, %arg1, %dma_wait3A_58, %dma_wait3A_59, %dma_wait3A_60] : memref<2x16x80x2x128xi32, #tpu.memory_space<hbm>> -> memref<1x1x1x2x128xi32, #tpu.memory_space<hbm>>
    %dma_wait3A_62 = tpu.memref_squeeze %dma_wait3A_61 : memref<1x1x1x2x128xi32, #tpu.memory_space<hbm>> -> memref<2x128xi32, #tpu.memory_space<hbm>>
    %dma_wait3A_63 = arith.constant 0 : i32
    %dma_wait3A_64 = arith.constant 0 : i32
    %dma_wait3A_65 = tpu.memref_slice %arg3[%arg0, %arg1, %dma_wait3A_58, %dma_wait3A_63, %dma_wait3A_64] : memref<2x16x80x2x128xi32, #tpu.memory_space<hbm>> -> memref<1x1x1x2x128xi32, #tpu.memory_space<hbm>>
    %dma_wait3A_66 = tpu.memref_squeeze %dma_wait3A_65 : memref<1x1x1x2x128xi32, #tpu.memory_space<hbm>> -> memref<2x128xi32, #tpu.memory_space<hbm>>
    tpu.wait_dma2 semaphore(%arg10 : memref<!tpu.dma_semaphore, #tpu.memory_space<semaphore_mem>>) src(%dma_wait3A_66 : memref<2x128xi32, #tpu.memory_space<hbm>>) dst(%arg6 : memref<2x128xi32, #tpu.memory_space<vmem>>)
    %dma_start3A_67 = arith.constant 0 : i32
    %dma_start3A_68 = arith.constant 0 : i32
    %dma_start3A_69 = tpu.memref_slice %arg6[%dma_start3A_67, %dma_start3A_68] : memref<2x128xi32, #tpu.memory_space<vmem>> -> memref<1x128xi32, #tpu.memory_space<vmem>>
    %dma_start3A_70 = tpu.memref_squeeze %dma_start3A_69 : memref<1x128xi32, #tpu.memory_space<vmem>> -> memref<128xi32, #tpu.memory_space<vmem>>
    %dma_start3A_71 = arith.constant 0 : i32
    %dma_start3A_72 = arith.constant 0 : i32
    %dma_start3A_73 = tpu.memref_slice %arg2[%dma_start3A_71, %dma_start3A_72] : memref<10240x128xf32, #tpu.memory_space<hbm>> -> memref<10240x128xf32, #tpu.memory_space<hbm>>
    tpu.enqueue_indirect_dma source(%dma_start3A_73 : memref<10240x128xf32, #tpu.memory_space<hbm>>) target(%arg8 : memref<128x128xf32, #tpu.memory_space<vmem>>) offsets(%dma_start3A_70 : memref<128xi32, #tpu.memory_space<vmem>>) semaphore(%arg12 : memref<!tpu.dma_semaphore, #tpu.memory_space<semaphore_mem>>)
    %barrier3A = arith.constant 0 : index
    tpu.barrier barrier_id(%barrier3A)
    %jit3A_74 = arith.constant 2 : i32
    %div3A = arith.divsi %select_n3A, %jit3A_74 : i32
    %sign3A = arith.constant 0 : i32
    %sign3A_75 = arith.cmpi sgt, %select_n3A, %sign3A : i32
    %sign3A_76 = arith.extui %sign3A_75 : i1 to i32
    %sign3A_77 = arith.constant 0 : i32
    %sign3A_78 = arith.cmpi slt, %select_n3A, %sign3A_77 : i32
    %sign3A_79 = arith.extui %sign3A_78 : i1 to i32
    %sign3A_80 = arith.subi %sign3A_76, %sign3A_79 : i32
    %sign3A_81 = arith.constant 0 : i32
    %sign3A_82 = arith.cmpi sgt, %jit3A_74, %sign3A_81 : i32
    %sign3A_83 = arith.extui %sign3A_82 : i1 to i32
    %sign3A_84 = arith.constant 0 : i32
    %sign3A_85 = arith.cmpi slt, %jit3A_74, %sign3A_84 : i32
    %sign3A_86 = arith.extui %sign3A_85 : i1 to i32
    %sign3A_87 = arith.subi %sign3A_83, %sign3A_86 : i32
    %ne3A = arith.cmpi ne, %sign3A_80, %sign3A_87 : i32
    %rem3A = arith.remsi %select_n3A, %jit3A_74 : i32
    %ne3A_88 = arith.constant 0 : i32
    %ne3A_89 = arith.cmpi ne, %rem3A, %ne3A_88 : i32
    %and3A = arith.andi %ne3A, %ne3A_89 : i1
    %sub3A = arith.constant 1 : i32
    %sub3A_90 = arith.subi %div3A, %sub3A : i32
    %select_n3A_91 = arith.select %and3A, %sub3A_90, %div3A : i32
    %sub3A_92 = arith.constant 1 : i32
    %sub3A_93 = arith.subi %select_n3A_91, %sub3A_92 : i32
    %while3A = arith.constant 0 : i32
    %while3A_94 = arith.constant 0 : i32
    %while3A_95 = arith.subi %sub3A_93, %while3A_94 : i32
    %while3A_96 = arith.addi %while3A_94, %while3A_95 : i32
    %while3A_97 = arith.constant 1 : i32
    %while3A_98 = arith.divsi %while3A_95, %while3A_97 : i32
    %while3A_99 = arith.muli %while3A_98, %while3A_97 : i32
    %while3A_100 = arith.addi %while3A_94, %while3A_99 : i32
    %while3A_101 = arith.constant 1 : i32
    scf.for %while3A_123 = %while3A_94 to %while3A_100 step %while3A_101  : i32 {
      %mul3A_124 = arith.constant 2 : i32
      %mul3A_125 = arith.muli %mul3A_124, %while3A_123 : i32
      %dma_wait3A_126 = arith.constant 0 : i32
      %dma_wait3A_127 = arith.constant 0 : i32
      %dma_wait3A_128 = tpu.memref_slice %arg5[%dma_wait3A_126, %dma_wait3A_127] : memref<2x128xi32, #tpu.memory_space<vmem>> -> memref<1x128xi32, #tpu.memory_space<vmem>>
      %dma_wait3A_129 = tpu.memref_squeeze %dma_wait3A_128 : memref<1x128xi32, #tpu.memory_space<vmem>> -> memref<128xi32, #tpu.memory_space<vmem>>
      %dma_wait3A_130 = arith.constant 0 : i32
      %dma_wait3A_131 = arith.constant 0 : i32
      %dma_wait3A_132 = tpu.memref_slice %arg2[%dma_wait3A_130, %dma_wait3A_131] : memref<10240x128xf32, #tpu.memory_space<hbm>> -> memref<10240x128xf32, #tpu.memory_space<hbm>>
      tpu.wait_indirect_dma semaphore(%arg11 : memref<!tpu.dma_semaphore, #tpu.memory_space<semaphore_mem>>) src(%dma_wait3A_132 : memref<10240x128xf32, #tpu.memory_space<hbm>>) dst(%arg7 : memref<128x128xf32, #tpu.memory_space<vmem>>)
      %run_scoped3A_133 = arith.constant 1 : i32
      "tpu.region"() ({
        %run_scoped3A_196 = tpu.sem_alloc : memref<!tpu.dma_semaphore, #tpu.memory_space<semaphore_mem>>
        %dma_start3A_197 = arith.constant 0 : i32
        %dma_start3A_198 = tpu.memref_slice %arg5[%run_scoped3A_133, %dma_start3A_197] : memref<2x128xi32, #tpu.memory_space<vmem>> -> memref<1x128xi32, #tpu.memory_space<vmem>>
        %dma_start3A_199 = tpu.memref_squeeze %dma_start3A_198 : memref<1x128xi32, #tpu.memory_space<vmem>> -> memref<128xi32, #tpu.memory_space<vmem>>
        %dma_start3A_200 = arith.constant 0 : i32
        %dma_start3A_201 = arith.constant 0 : i32
        %dma_start3A_202 = tpu.memref_slice %arg13[%dma_start3A_200, %dma_start3A_201] : memref<10240x128xf32, #tpu.memory_space<vmem_shared>> -> memref<10240x128xf32, #tpu.memory_space<vmem_shared>>
        tpu.enqueue_indirect_dma source(%arg7 : memref<128x128xf32, #tpu.memory_space<vmem>>) target(%dma_start3A_202 : memref<10240x128xf32, #tpu.memory_space<vmem_shared>>) offsets(%dma_start3A_199 : memref<128xi32, #tpu.memory_space<vmem>>) semaphore(%run_scoped3A_196 : memref<!tpu.dma_semaphore, #tpu.memory_space<semaphore_mem>>) {add = true}
        %dma_wait3A_203 = arith.constant 0 : i32
        %dma_wait3A_204 = tpu.memref_slice %arg5[%run_scoped3A_133, %dma_wait3A_203] : memref<2x128xi32, #tpu.memory_space<vmem>> -> memref<1x128xi32, #tpu.memory_space<vmem>>
        %dma_wait3A_205 = tpu.memref_squeeze %dma_wait3A_204 : memref<1x128xi32, #tpu.memory_space<vmem>> -> memref<128xi32, #tpu.memory_space<vmem>>
        %dma_wait3A_206 = arith.constant 0 : i32
        %dma_wait3A_207 = arith.constant 0 : i32
        %dma_wait3A_208 = tpu.memref_slice %arg13[%dma_wait3A_206, %dma_wait3A_207] : memref<10240x128xf32, #tpu.memory_space<vmem_shared>> -> memref<10240x128xf32, #tpu.memory_space<vmem_shared>>
        tpu.wait_indirect_dma semaphore(%run_scoped3A_196 : memref<!tpu.dma_semaphore, #tpu.memory_space<semaphore_mem>>) src(%arg7 : memref<128x128xf32, #tpu.memory_space<vmem>>) dst(%dma_wait3A_208 : memref<10240x128xf32, #tpu.memory_space<vmem_shared>>)
        tpu.yield
      }) : () -> ()
      %add3A_134 = arith.constant 2 : i32
      %add3A_135 = arith.addi %mul3A_125, %add3A_134 : i32
      %dma_start3A_136 = arith.constant 0 : i32
      %dma_start3A_137 = arith.constant 0 : i32
      %dma_start3A_138 = tpu.memref_slice %arg3[%arg0, %arg1, %add3A_135, %dma_start3A_136, %dma_start3A_137] : memref<2x16x80x2x128xi32, #tpu.memory_space<hbm>> -> memref<1x1x1x2x128xi32, #tpu.memory_space<hbm>>
      %dma_start3A_139 = tpu.memref_squeeze %dma_start3A_138 : memref<1x1x1x2x128xi32, #tpu.memory_space<hbm>> -> memref<2x128xi32, #tpu.memory_space<hbm>>
      %dma_start3A_140 = arith.constant 0 : i32
      %dma_start3A_141 = arith.constant 0 : i32
      %dma_start3A_142 = tpu.memref_slice %arg3[%arg0, %arg1, %add3A_135, %dma_start3A_140, %dma_start3A_141] : memref<2x16x80x2x128xi32, #tpu.memory_space<hbm>> -> memref<1x1x1x2x128xi32, #tpu.memory_space<hbm>>
      %dma_start3A_143 = tpu.memref_squeeze %dma_start3A_142 : memref<1x1x1x2x128xi32, #tpu.memory_space<hbm>> -> memref<2x128xi32, #tpu.memory_space<hbm>>
      tpu.enqueue_dma source(%dma_start3A_143 : memref<2x128xi32, #tpu.memory_space<hbm>>) target(%arg5 : memref<2x128xi32, #tpu.memory_space<vmem>>) target_semaphore(%arg9 : memref<!tpu.dma_semaphore, #tpu.memory_space<semaphore_mem>>)
      %add3A_144 = arith.constant 2 : i32
      %add3A_145 = arith.addi %mul3A_125, %add3A_144 : i32
      %dma_wait3A_146 = arith.constant 0 : i32
      %dma_wait3A_147 = arith.constant 0 : i32
      %dma_wait3A_148 = tpu.memref_slice %arg3[%arg0, %arg1, %add3A_145, %dma_wait3A_146, %dma_wait3A_147] : memref<2x16x80x2x128xi32, #tpu.memory_space<hbm>> -> memref<1x1x1x2x128xi32, #tpu.memory_space<hbm>>
      %dma_wait3A_149 = tpu.memref_squeeze %dma_wait3A_148 : memref<1x1x1x2x128xi32, #tpu.memory_space<hbm>> -> memref<2x128xi32, #tpu.memory_space<hbm>>
      %dma_wait3A_150 = arith.constant 0 : i32
      %dma_wait3A_151 = arith.constant 0 : i32
      %dma_wait3A_152 = tpu.memref_slice %arg3[%arg0, %arg1, %add3A_145, %dma_wait3A_150, %dma_wait3A_151] : memref<2x16x80x2x128xi32, #tpu.memory_space<hbm>> -> memref<1x1x1x2x128xi32, #tpu.memory_space<hbm>>
      %dma_wait3A_153 = tpu.memref_squeeze %dma_wait3A_152 : memref<1x1x1x2x128xi32, #tpu.memory_space<hbm>> -> memref<2x128xi32, #tpu.memory_space<hbm>>
      tpu.wait_dma2 semaphore(%arg9 : memref<!tpu.dma_semaphore, #tpu.memory_space<semaphore_mem>>) src(%dma_wait3A_153 : memref<2x128xi32, #tpu.memory_space<hbm>>) dst(%arg5 : memref<2x128xi32, #tpu.memory_space<vmem>>)
      %dma_start3A_154 = arith.constant 0 : i32
      %dma_start3A_155 = arith.constant 0 : i32
      %dma_start3A_156 = tpu.memref_slice %arg5[%dma_start3A_154, %dma_start3A_155] : memref<2x128xi32, #tpu.memory_space<vmem>> -> memref<1x128xi32, #tpu.memory_space<vmem>>
      %dma_start3A_157 = tpu.memref_squeeze %dma_start3A_156 : memref<1x128xi32, #tpu.memory_space<vmem>> -> memref<128xi32, #tpu.memory_space<vmem>>
      %dma_start3A_158 = arith.constant 0 : i32
      %dma_start3A_159 = arith.constant 0 : i32
      %dma_start3A_160 = tpu.memref_slice %arg2[%dma_start3A_158, %dma_start3A_159] : memref<10240x128xf32, #tpu.memory_space<hbm>> -> memref<10240x128xf32, #tpu.memory_space<hbm>>
      tpu.enqueue_indirect_dma source(%dma_start3A_160 : memref<10240x128xf32, #tpu.memory_space<hbm>>) target(%arg7 : memref<128x128xf32, #tpu.memory_space<vmem>>) offsets(%dma_start3A_157 : memref<128xi32, #tpu.memory_space<vmem>>) semaphore(%arg11 : memref<!tpu.dma_semaphore, #tpu.memory_space<semaphore_mem>>)
      %dma_wait3A_161 = arith.constant 0 : i32
      %dma_wait3A_162 = arith.constant 0 : i32
      %dma_wait3A_163 = tpu.memref_slice %arg6[%dma_wait3A_161, %dma_wait3A_162] : memref<2x128xi32, #tpu.memory_space<vmem>> -> memref<1x128xi32, #tpu.memory_space<vmem>>
      %dma_wait3A_164 = tpu.memref_squeeze %dma_wait3A_163 : memref<1x128xi32, #tpu.memory_space<vmem>> -> memref<128xi32, #tpu.memory_space<vmem>>
      %dma_wait3A_165 = arith.constant 0 : i32
      %dma_wait3A_166 = arith.constant 0 : i32
      %dma_wait3A_167 = tpu.memref_slice %arg2[%dma_wait3A_165, %dma_wait3A_166] : memref<10240x128xf32, #tpu.memory_space<hbm>> -> memref<10240x128xf32, #tpu.memory_space<hbm>>
      tpu.wait_indirect_dma semaphore(%arg12 : memref<!tpu.dma_semaphore, #tpu.memory_space<semaphore_mem>>) src(%dma_wait3A_167 : memref<10240x128xf32, #tpu.memory_space<hbm>>) dst(%arg8 : memref<128x128xf32, #tpu.memory_space<vmem>>)
      %run_scoped3A_168 = arith.constant 1 : i32
      "tpu.region"() ({
        %run_scoped3A_196 = tpu.sem_alloc : memref<!tpu.dma_semaphore, #tpu.memory_space<semaphore_mem>>
        %dma_start3A_197 = arith.constant 0 : i32
        %dma_start3A_198 = tpu.memref_slice %arg6[%run_scoped3A_168, %dma_start3A_197] : memref<2x128xi32, #tpu.memory_space<vmem>> -> memref<1x128xi32, #tpu.memory_space<vmem>>
        %dma_start3A_199 = tpu.memref_squeeze %dma_start3A_198 : memref<1x128xi32, #tpu.memory_space<vmem>> -> memref<128xi32, #tpu.memory_space<vmem>>
        %dma_start3A_200 = arith.constant 0 : i32
        %dma_start3A_201 = arith.constant 0 : i32
        %dma_start3A_202 = tpu.memref_slice %arg13[%dma_start3A_200, %dma_start3A_201] : memref<10240x128xf32, #tpu.memory_space<vmem_shared>> -> memref<10240x128xf32, #tpu.memory_space<vmem_shared>>
        tpu.enqueue_indirect_dma source(%arg8 : memref<128x128xf32, #tpu.memory_space<vmem>>) target(%dma_start3A_202 : memref<10240x128xf32, #tpu.memory_space<vmem_shared>>) offsets(%dma_start3A_199 : memref<128xi32, #tpu.memory_space<vmem>>) semaphore(%run_scoped3A_196 : memref<!tpu.dma_semaphore, #tpu.memory_space<semaphore_mem>>) {add = true}
        %dma_wait3A_203 = arith.constant 0 : i32
        %dma_wait3A_204 = tpu.memref_slice %arg6[%run_scoped3A_168, %dma_wait3A_203] : memref<2x128xi32, #tpu.memory_space<vmem>> -> memref<1x128xi32, #tpu.memory_space<vmem>>
        %dma_wait3A_205 = tpu.memref_squeeze %dma_wait3A_204 : memref<1x128xi32, #tpu.memory_space<vmem>> -> memref<128xi32, #tpu.memory_space<vmem>>
        %dma_wait3A_206 = arith.constant 0 : i32
        %dma_wait3A_207 = arith.constant 0 : i32
        %dma_wait3A_208 = tpu.memref_slice %arg13[%dma_wait3A_206, %dma_wait3A_207] : memref<10240x128xf32, #tpu.memory_space<vmem_shared>> -> memref<10240x128xf32, #tpu.memory_space<vmem_shared>>
        tpu.wait_indirect_dma semaphore(%run_scoped3A_196 : memref<!tpu.dma_semaphore, #tpu.memory_space<semaphore_mem>>) src(%arg8 : memref<128x128xf32, #tpu.memory_space<vmem>>) dst(%dma_wait3A_208 : memref<10240x128xf32, #tpu.memory_space<vmem_shared>>)
        tpu.yield
      }) : () -> ()
      %add3A_169 = arith.constant 3 : i32
      %add3A_170 = arith.addi %mul3A_125, %add3A_169 : i32
      %dma_start3A_171 = arith.constant 0 : i32
      %dma_start3A_172 = arith.constant 0 : i32
      %dma_start3A_173 = tpu.memref_slice %arg3[%arg0, %arg1, %add3A_170, %dma_start3A_171, %dma_start3A_172] : memref<2x16x80x2x128xi32, #tpu.memory_space<hbm>> -> memref<1x1x1x2x128xi32, #tpu.memory_space<hbm>>
      %dma_start3A_174 = tpu.memref_squeeze %dma_start3A_173 : memref<1x1x1x2x128xi32, #tpu.memory_space<hbm>> -> memref<2x128xi32, #tpu.memory_space<hbm>>
      %dma_start3A_175 = arith.constant 0 : i32
      %dma_start3A_176 = arith.constant 0 : i32
      %dma_start3A_177 = tpu.memref_slice %arg3[%arg0, %arg1, %add3A_170, %dma_start3A_175, %dma_start3A_176] : memref<2x16x80x2x128xi32, #tpu.memory_space<hbm>> -> memref<1x1x1x2x128xi32, #tpu.memory_space<hbm>>
      %dma_start3A_178 = tpu.memref_squeeze %dma_start3A_177 : memref<1x1x1x2x128xi32, #tpu.memory_space<hbm>> -> memref<2x128xi32, #tpu.memory_space<hbm>>
      tpu.enqueue_dma source(%dma_start3A_178 : memref<2x128xi32, #tpu.memory_space<hbm>>) target(%arg6 : memref<2x128xi32, #tpu.memory_space<vmem>>) target_semaphore(%arg10 : memref<!tpu.dma_semaphore, #tpu.memory_space<semaphore_mem>>)
      %add3A_179 = arith.constant 3 : i32
      %add3A_180 = arith.addi %mul3A_125, %add3A_179 : i32
      %dma_wait3A_181 = arith.constant 0 : i32
      %dma_wait3A_182 = arith.constant 0 : i32
      %dma_wait3A_183 = tpu.memref_slice %arg3[%arg0, %arg1, %add3A_180, %dma_wait3A_181, %dma_wait3A_182] : memref<2x16x80x2x128xi32, #tpu.memory_space<hbm>> -> memref<1x1x1x2x128xi32, #tpu.memory_space<hbm>>
      %dma_wait3A_184 = tpu.memref_squeeze %dma_wait3A_183 : memref<1x1x1x2x128xi32, #tpu.memory_space<hbm>> -> memref<2x128xi32, #tpu.memory_space<hbm>>
      %dma_wait3A_185 = arith.constant 0 : i32
      %dma_wait3A_186 = arith.constant 0 : i32
      %dma_wait3A_187 = tpu.memref_slice %arg3[%arg0, %arg1, %add3A_180, %dma_wait3A_185, %dma_wait3A_186] : memref<2x16x80x2x128xi32, #tpu.memory_space<hbm>> -> memref<1x1x1x2x128xi32, #tpu.memory_space<hbm>>
      %dma_wait3A_188 = tpu.memref_squeeze %dma_wait3A_187 : memref<1x1x1x2x128xi32, #tpu.memory_space<hbm>> -> memref<2x128xi32, #tpu.memory_space<hbm>>
      tpu.wait_dma2 semaphore(%arg10 : memref<!tpu.dma_semaphore, #tpu.memory_space<semaphore_mem>>) src(%dma_wait3A_188 : memref<2x128xi32, #tpu.memory_space<hbm>>) dst(%arg6 : memref<2x128xi32, #tpu.memory_space<vmem>>)
      %dma_start3A_189 = arith.constant 0 : i32
      %dma_start3A_190 = arith.constant 0 : i32
      %dma_start3A_191 = tpu.memref_slice %arg6[%dma_start3A_189, %dma_start3A_190] : memref<2x128xi32, #tpu.memory_space<vmem>> -> memref<1x128xi32, #tpu.memory_space<vmem>>
      %dma_start3A_192 = tpu.memref_squeeze %dma_start3A_191 : memref<1x128xi32, #tpu.memory_space<vmem>> -> memref<128xi32, #tpu.memory_space<vmem>>
      %dma_start3A_193 = arith.constant 0 : i32
      %dma_start3A_194 = arith.constant 0 : i32
      %dma_start3A_195 = tpu.memref_slice %arg2[%dma_start3A_193, %dma_start3A_194] : memref<10240x128xf32, #tpu.memory_space<hbm>> -> memref<10240x128xf32, #tpu.memory_space<hbm>>
      tpu.enqueue_indirect_dma source(%dma_start3A_195 : memref<10240x128xf32, #tpu.memory_space<hbm>>) target(%arg8 : memref<128x128xf32, #tpu.memory_space<vmem>>) offsets(%dma_start3A_192 : memref<128xi32, #tpu.memory_space<vmem>>) semaphore(%arg12 : memref<!tpu.dma_semaphore, #tpu.memory_space<semaphore_mem>>)
    }
    %while3A_102 = arith.constant 1 : i32
    scf.for %while3A_123 = %while3A_100 to %while3A_96 step %while3A_102  : i32 {
      %mul3A_124 = arith.constant 2 : i32
      %mul3A_125 = arith.muli %mul3A_124, %while3A_123 : i32
      %dma_wait3A_126 = arith.constant 0 : i32
      %dma_wait3A_127 = arith.constant 0 : i32
      %dma_wait3A_128 = tpu.memref_slice %arg5[%dma_wait3A_126, %dma_wait3A_127] : memref<2x128xi32, #tpu.memory_space<vmem>> -> memref<1x128xi32, #tpu.memory_space<vmem>>
      %dma_wait3A_129 = tpu.memref_squeeze %dma_wait3A_128 : memref<1x128xi32, #tpu.memory_space<vmem>> -> memref<128xi32, #tpu.memory_space<vmem>>
      %dma_wait3A_130 = arith.constant 0 : i32
      %dma_wait3A_131 = arith.constant 0 : i32
      %dma_wait3A_132 = tpu.memref_slice %arg2[%dma_wait3A_130, %dma_wait3A_131] : memref<10240x128xf32, #tpu.memory_space<hbm>> -> memref<10240x128xf32, #tpu.memory_space<hbm>>
      tpu.wait_indirect_dma semaphore(%arg11 : memref<!tpu.dma_semaphore, #tpu.memory_space<semaphore_mem>>) src(%dma_wait3A_132 : memref<10240x128xf32, #tpu.memory_space<hbm>>) dst(%arg7 : memref<128x128xf32, #tpu.memory_space<vmem>>)
      %run_scoped3A_133 = arith.constant 1 : i32
      "tpu.region"() ({
        %run_scoped3A_196 = tpu.sem_alloc : memref<!tpu.dma_semaphore, #tpu.memory_space<semaphore_mem>>
        %dma_start3A_197 = arith.constant 0 : i32
        %dma_start3A_198 = tpu.memref_slice %arg5[%run_scoped3A_133, %dma_start3A_197] : memref<2x128xi32, #tpu.memory_space<vmem>> -> memref<1x128xi32, #tpu.memory_space<vmem>>
        %dma_start3A_199 = tpu.memref_squeeze %dma_start3A_198 : memref<1x128xi32, #tpu.memory_space<vmem>> -> memref<128xi32, #tpu.memory_space<vmem>>
        %dma_start3A_200 = arith.constant 0 : i32
        %dma_start3A_201 = arith.constant 0 : i32
        %dma_start3A_202 = tpu.memref_slice %arg13[%dma_start3A_200, %dma_start3A_201] : memref<10240x128xf32, #tpu.memory_space<vmem_shared>> -> memref<10240x128xf32, #tpu.memory_space<vmem_shared>>
        tpu.enqueue_indirect_dma source(%arg7 : memref<128x128xf32, #tpu.memory_space<vmem>>) target(%dma_start3A_202 : memref<10240x128xf32, #tpu.memory_space<vmem_shared>>) offsets(%dma_start3A_199 : memref<128xi32, #tpu.memory_space<vmem>>) semaphore(%run_scoped3A_196 : memref<!tpu.dma_semaphore, #tpu.memory_space<semaphore_mem>>) {add = true}
        %dma_wait3A_203 = arith.constant 0 : i32
        %dma_wait3A_204 = tpu.memref_slice %arg5[%run_scoped3A_133, %dma_wait3A_203] : memref<2x128xi32, #tpu.memory_space<vmem>> -> memref<1x128xi32, #tpu.memory_space<vmem>>
        %dma_wait3A_205 = tpu.memref_squeeze %dma_wait3A_204 : memref<1x128xi32, #tpu.memory_space<vmem>> -> memref<128xi32, #tpu.memory_space<vmem>>
        %dma_wait3A_206 = arith.constant 0 : i32
        %dma_wait3A_207 = arith.constant 0 : i32
        %dma_wait3A_208 = tpu.memref_slice %arg13[%dma_wait3A_206, %dma_wait3A_207] : memref<10240x128xf32, #tpu.memory_space<vmem_shared>> -> memref<10240x128xf32, #tpu.memory_space<vmem_shared>>
        tpu.wait_indirect_dma semaphore(%run_scoped3A_196 : memref<!tpu.dma_semaphore, #tpu.memory_space<semaphore_mem>>) src(%arg7 : memref<128x128xf32, #tpu.memory_space<vmem>>) dst(%dma_wait3A_208 : memref<10240x128xf32, #tpu.memory_space<vmem_shared>>)
        tpu.yield
      }) : () -> ()
      %add3A_134 = arith.constant 2 : i32
      %add3A_135 = arith.addi %mul3A_125, %add3A_134 : i32
      %dma_start3A_136 = arith.constant 0 : i32
      %dma_start3A_137 = arith.constant 0 : i32
      %dma_start3A_138 = tpu.memref_slice %arg3[%arg0, %arg1, %add3A_135, %dma_start3A_136, %dma_start3A_137] : memref<2x16x80x2x128xi32, #tpu.memory_space<hbm>> -> memref<1x1x1x2x128xi32, #tpu.memory_space<hbm>>
      %dma_start3A_139 = tpu.memref_squeeze %dma_start3A_138 : memref<1x1x1x2x128xi32, #tpu.memory_space<hbm>> -> memref<2x128xi32, #tpu.memory_space<hbm>>
      %dma_start3A_140 = arith.constant 0 : i32
      %dma_start3A_141 = arith.constant 0 : i32
      %dma_start3A_142 = tpu.memref_slice %arg3[%arg0, %arg1, %add3A_135, %dma_start3A_140, %dma_start3A_141] : memref<2x16x80x2x128xi32, #tpu.memory_space<hbm>> -> memref<1x1x1x2x128xi32, #tpu.memory_space<hbm>>
      %dma_start3A_143 = tpu.memref_squeeze %dma_start3A_142 : memref<1x1x1x2x128xi32, #tpu.memory_space<hbm>> -> memref<2x128xi32, #tpu.memory_space<hbm>>
      tpu.enqueue_dma source(%dma_start3A_143 : memref<2x128xi32, #tpu.memory_space<hbm>>) target(%arg5 : memref<2x128xi32, #tpu.memory_space<vmem>>) target_semaphore(%arg9 : memref<!tpu.dma_semaphore, #tpu.memory_space<semaphore_mem>>)
      %add3A_144 = arith.constant 2 : i32
      %add3A_145 = arith.addi %mul3A_125, %add3A_144 : i32
      %dma_wait3A_146 = arith.constant 0 : i32
      %dma_wait3A_147 = arith.constant 0 : i32
      %dma_wait3A_148 = tpu.memref_slice %arg3[%arg0, %arg1, %add3A_145, %dma_wait3A_146, %dma_wait3A_147] : memref<2x16x80x2x128xi32, #tpu.memory_space<hbm>> -> memref<1x1x1x2x128xi32, #tpu.memory_space<hbm>>
      %dma_wait3A_149 = tpu.memref_squeeze %dma_wait3A_148 : memref<1x1x1x2x128xi32, #tpu.memory_space<hbm>> -> memref<2x128xi32, #tpu.memory_space<hbm>>
      %dma_wait3A_150 = arith.constant 0 : i32
      %dma_wait3A_151 = arith.constant 0 : i32
      %dma_wait3A_152 = tpu.memref_slice %arg3[%arg0, %arg1, %add3A_145, %dma_wait3A_150, %dma_wait3A_151] : memref<2x16x80x2x128xi32, #tpu.memory_space<hbm>> -> memref<1x1x1x2x128xi32, #tpu.memory_space<hbm>>
      %dma_wait3A_153 = tpu.memref_squeeze %dma_wait3A_152 : memref<1x1x1x2x128xi32, #tpu.memory_space<hbm>> -> memref<2x128xi32, #tpu.memory_space<hbm>>
      tpu.wait_dma2 semaphore(%arg9 : memref<!tpu.dma_semaphore, #tpu.memory_space<semaphore_mem>>) src(%dma_wait3A_153 : memref<2x128xi32, #tpu.memory_space<hbm>>) dst(%arg5 : memref<2x128xi32, #tpu.memory_space<vmem>>)
      %dma_start3A_154 = arith.constant 0 : i32
      %dma_start3A_155 = arith.constant 0 : i32
      %dma_start3A_156 = tpu.memref_slice %arg5[%dma_start3A_154, %dma_start3A_155] : memref<2x128xi32, #tpu.memory_space<vmem>> -> memref<1x128xi32, #tpu.memory_space<vmem>>
      %dma_start3A_157 = tpu.memref_squeeze %dma_start3A_156 : memref<1x128xi32, #tpu.memory_space<vmem>> -> memref<128xi32, #tpu.memory_space<vmem>>
      %dma_start3A_158 = arith.constant 0 : i32
      %dma_start3A_159 = arith.constant 0 : i32
      %dma_start3A_160 = tpu.memref_slice %arg2[%dma_start3A_158, %dma_start3A_159] : memref<10240x128xf32, #tpu.memory_space<hbm>> -> memref<10240x128xf32, #tpu.memory_space<hbm>>
      tpu.enqueue_indirect_dma source(%dma_start3A_160 : memref<10240x128xf32, #tpu.memory_space<hbm>>) target(%arg7 : memref<128x128xf32, #tpu.memory_space<vmem>>) offsets(%dma_start3A_157 : memref<128xi32, #tpu.memory_space<vmem>>) semaphore(%arg11 : memref<!tpu.dma_semaphore, #tpu.memory_space<semaphore_mem>>)
      %dma_wait3A_161 = arith.constant 0 : i32
      %dma_wait3A_162 = arith.constant 0 : i32
      %dma_wait3A_163 = tpu.memref_slice %arg6[%dma_wait3A_161, %dma_wait3A_162] : memref<2x128xi32, #tpu.memory_space<vmem>> -> memref<1x128xi32, #tpu.memory_space<vmem>>
      %dma_wait3A_164 = tpu.memref_squeeze %dma_wait3A_163 : memref<1x128xi32, #tpu.memory_space<vmem>> -> memref<128xi32, #tpu.memory_space<vmem>>
      %dma_wait3A_165 = arith.constant 0 : i32
      %dma_wait3A_166 = arith.constant 0 : i32
      %dma_wait3A_167 = tpu.memref_slice %arg2[%dma_wait3A_165, %dma_wait3A_166] : memref<10240x128xf32, #tpu.memory_space<hbm>> -> memref<10240x128xf32, #tpu.memory_space<hbm>>
      tpu.wait_indirect_dma semaphore(%arg12 : memref<!tpu.dma_semaphore, #tpu.memory_space<semaphore_mem>>) src(%dma_wait3A_167 : memref<10240x128xf32, #tpu.memory_space<hbm>>) dst(%arg8 : memref<128x128xf32, #tpu.memory_space<vmem>>)
      %run_scoped3A_168 = arith.constant 1 : i32
      "tpu.region"() ({
        %run_scoped3A_196 = tpu.sem_alloc : memref<!tpu.dma_semaphore, #tpu.memory_space<semaphore_mem>>
        %dma_start3A_197 = arith.constant 0 : i32
        %dma_start3A_198 = tpu.memref_slice %arg6[%run_scoped3A_168, %dma_start3A_197] : memref<2x128xi32, #tpu.memory_space<vmem>> -> memref<1x128xi32, #tpu.memory_space<vmem>>
        %dma_start3A_199 = tpu.memref_squeeze %dma_start3A_198 : memref<1x128xi32, #tpu.memory_space<vmem>> -> memref<128xi32, #tpu.memory_space<vmem>>
        %dma_start3A_200 = arith.constant 0 : i32
        %dma_start3A_201 = arith.constant 0 : i32
        %dma_start3A_202 = tpu.memref_slice %arg13[%dma_start3A_200, %dma_start3A_201] : memref<10240x128xf32, #tpu.memory_space<vmem_shared>> -> memref<10240x128xf32, #tpu.memory_space<vmem_shared>>
        tpu.enqueue_indirect_dma source(%arg8 : memref<128x128xf32, #tpu.memory_space<vmem>>) target(%dma_start3A_202 : memref<10240x128xf32, #tpu.memory_space<vmem_shared>>) offsets(%dma_start3A_199 : memref<128xi32, #tpu.memory_space<vmem>>) semaphore(%run_scoped3A_196 : memref<!tpu.dma_semaphore, #tpu.memory_space<semaphore_mem>>) {add = true}
        %dma_wait3A_203 = arith.constant 0 : i32
        %dma_wait3A_204 = tpu.memref_slice %arg6[%run_scoped3A_168, %dma_wait3A_203] : memref<2x128xi32, #tpu.memory_space<vmem>> -> memref<1x128xi32, #tpu.memory_space<vmem>>
        %dma_wait3A_205 = tpu.memref_squeeze %dma_wait3A_204 : memref<1x128xi32, #tpu.memory_space<vmem>> -> memref<128xi32, #tpu.memory_space<vmem>>
        %dma_wait3A_206 = arith.constant 0 : i32
        %dma_wait3A_207 = arith.constant 0 : i32
        %dma_wait3A_208 = tpu.memref_slice %arg13[%dma_wait3A_206, %dma_wait3A_207] : memref<10240x128xf32, #tpu.memory_space<vmem_shared>> -> memref<10240x128xf32, #tpu.memory_space<vmem_shared>>
        tpu.wait_indirect_dma semaphore(%run_scoped3A_196 : memref<!tpu.dma_semaphore, #tpu.memory_space<semaphore_mem>>) src(%arg8 : memref<128x128xf32, #tpu.memory_space<vmem>>) dst(%dma_wait3A_208 : memref<10240x128xf32, #tpu.memory_space<vmem_shared>>)
        tpu.yield
      }) : () -> ()
      %add3A_169 = arith.constant 3 : i32
      %add3A_170 = arith.addi %mul3A_125, %add3A_169 : i32
      %dma_start3A_171 = arith.constant 0 : i32
      %dma_start3A_172 = arith.constant 0 : i32
      %dma_start3A_173 = tpu.memref_slice %arg3[%arg0, %arg1, %add3A_170, %dma_start3A_171, %dma_start3A_172] : memref<2x16x80x2x128xi32, #tpu.memory_space<hbm>> -> memref<1x1x1x2x128xi32, #tpu.memory_space<hbm>>
      %dma_start3A_174 = tpu.memref_squeeze %dma_start3A_173 : memref<1x1x1x2x128xi32, #tpu.memory_space<hbm>> -> memref<2x128xi32, #tpu.memory_space<hbm>>
      %dma_start3A_175 = arith.constant 0 : i32
      %dma_start3A_176 = arith.constant 0 : i32
      %dma_start3A_177 = tpu.memref_slice %arg3[%arg0, %arg1, %add3A_170, %dma_start3A_175, %dma_start3A_176] : memref<2x16x80x2x128xi32, #tpu.memory_space<hbm>> -> memref<1x1x1x2x128xi32, #tpu.memory_space<hbm>>
      %dma_start3A_178 = tpu.memref_squeeze %dma_start3A_177 : memref<1x1x1x2x128xi32, #tpu.memory_space<hbm>> -> memref<2x128xi32, #tpu.memory_space<hbm>>
      tpu.enqueue_dma source(%dma_start3A_178 : memref<2x128xi32, #tpu.memory_space<hbm>>) target(%arg6 : memref<2x128xi32, #tpu.memory_space<vmem>>) target_semaphore(%arg10 : memref<!tpu.dma_semaphore, #tpu.memory_space<semaphore_mem>>)
      %add3A_179 = arith.constant 3 : i32
      %add3A_180 = arith.addi %mul3A_125, %add3A_179 : i32
      %dma_wait3A_181 = arith.constant 0 : i32
      %dma_wait3A_182 = arith.constant 0 : i32
      %dma_wait3A_183 = tpu.memref_slice %arg3[%arg0, %arg1, %add3A_180, %dma_wait3A_181, %dma_wait3A_182] : memref<2x16x80x2x128xi32, #tpu.memory_space<hbm>> -> memref<1x1x1x2x128xi32, #tpu.memory_space<hbm>>
      %dma_wait3A_184 = tpu.memref_squeeze %dma_wait3A_183 : memref<1x1x1x2x128xi32, #tpu.memory_space<hbm>> -> memref<2x128xi32, #tpu.memory_space<hbm>>
      %dma_wait3A_185 = arith.constant 0 : i32
      %dma_wait3A_186 = arith.constant 0 : i32
      %dma_wait3A_187 = tpu.memref_slice %arg3[%arg0, %arg1, %add3A_180, %dma_wait3A_185, %dma_wait3A_186] : memref<2x16x80x2x128xi32, #tpu.memory_space<hbm>> -> memref<1x1x1x2x128xi32, #tpu.memory_space<hbm>>
      %dma_wait3A_188 = tpu.memref_squeeze %dma_wait3A_187 : memref<1x1x1x2x128xi32, #tpu.memory_space<hbm>> -> memref<2x128xi32, #tpu.memory_space<hbm>>
      tpu.wait_dma2 semaphore(%arg10 : memref<!tpu.dma_semaphore, #tpu.memory_space<semaphore_mem>>) src(%dma_wait3A_188 : memref<2x128xi32, #tpu.memory_space<hbm>>) dst(%arg6 : memref<2x128xi32, #tpu.memory_space<vmem>>)
      %dma_start3A_189 = arith.constant 0 : i32
      %dma_start3A_190 = arith.constant 0 : i32
      %dma_start3A_191 = tpu.memref_slice %arg6[%dma_start3A_189, %dma_start3A_190] : memref<2x128xi32, #tpu.memory_space<vmem>> -> memref<1x128xi32, #tpu.memory_space<vmem>>
      %dma_start3A_192 = tpu.memref_squeeze %dma_start3A_191 : memref<1x128xi32, #tpu.memory_space<vmem>> -> memref<128xi32, #tpu.memory_space<vmem>>
      %dma_start3A_193 = arith.constant 0 : i32
      %dma_start3A_194 = arith.constant 0 : i32
      %dma_start3A_195 = tpu.memref_slice %arg2[%dma_start3A_193, %dma_start3A_194] : memref<10240x128xf32, #tpu.memory_space<hbm>> -> memref<10240x128xf32, #tpu.memory_space<hbm>>
      tpu.enqueue_indirect_dma source(%dma_start3A_195 : memref<10240x128xf32, #tpu.memory_space<hbm>>) target(%arg8 : memref<128x128xf32, #tpu.memory_space<vmem>>) offsets(%dma_start3A_192 : memref<128xi32, #tpu.memory_space<vmem>>) semaphore(%arg12 : memref<!tpu.dma_semaphore, #tpu.memory_space<semaphore_mem>>)
    }
    %dma_wait3A_103 = arith.constant 0 : i32
    %dma_wait3A_104 = arith.constant 0 : i32
    %dma_wait3A_105 = tpu.memref_slice %arg5[%dma_wait3A_103, %dma_wait3A_104] : memref<2x128xi32, #tpu.memory_space<vmem>> -> memref<1x128xi32, #tpu.memory_space<vmem>>
    %dma_wait3A_106 = tpu.memref_squeeze %dma_wait3A_105 : memref<1x128xi32, #tpu.memory_space<vmem>> -> memref<128xi32, #tpu.memory_space<vmem>>
    %dma_wait3A_107 = arith.constant 0 : i32
    %dma_wait3A_108 = arith.constant 0 : i32
    %dma_wait3A_109 = tpu.memref_slice %arg2[%dma_wait3A_107, %dma_wait3A_108] : memref<10240x128xf32, #tpu.memory_space<hbm>> -> memref<10240x128xf32, #tpu.memory_space<hbm>>
    tpu.wait_indirect_dma semaphore(%arg11 : memref<!tpu.dma_semaphore, #tpu.memory_space<semaphore_mem>>) src(%dma_wait3A_109 : memref<10240x128xf32, #tpu.memory_space<hbm>>) dst(%arg7 : memref<128x128xf32, #tpu.memory_space<vmem>>)
    %run_scoped3A = arith.constant 1 : i32
    "tpu.region"() ({
      %run_scoped3A_123 = tpu.sem_alloc : memref<!tpu.dma_semaphore, #tpu.memory_space<semaphore_mem>>
      %dma_start3A_124 = arith.constant 0 : i32
      %dma_start3A_125 = tpu.memref_slice %arg5[%run_scoped3A, %dma_start3A_124] : memref<2x128xi32, #tpu.memory_space<vmem>> -> memref<1x128xi32, #tpu.memory_space<vmem>>
      %dma_start3A_126 = tpu.memref_squeeze %dma_start3A_125 : memref<1x128xi32, #tpu.memory_space<vmem>> -> memref<128xi32, #tpu.memory_space<vmem>>
      %dma_start3A_127 = arith.constant 0 : i32
      %dma_start3A_128 = arith.constant 0 : i32
      %dma_start3A_129 = tpu.memref_slice %arg13[%dma_start3A_127, %dma_start3A_128] : memref<10240x128xf32, #tpu.memory_space<vmem_shared>> -> memref<10240x128xf32, #tpu.memory_space<vmem_shared>>
      tpu.enqueue_indirect_dma source(%arg7 : memref<128x128xf32, #tpu.memory_space<vmem>>) target(%dma_start3A_129 : memref<10240x128xf32, #tpu.memory_space<vmem_shared>>) offsets(%dma_start3A_126 : memref<128xi32, #tpu.memory_space<vmem>>) semaphore(%run_scoped3A_123 : memref<!tpu.dma_semaphore, #tpu.memory_space<semaphore_mem>>) {add = true}
      %dma_wait3A_130 = arith.constant 0 : i32
      %dma_wait3A_131 = tpu.memref_slice %arg5[%run_scoped3A, %dma_wait3A_130] : memref<2x128xi32, #tpu.memory_space<vmem>> -> memref<1x128xi32, #tpu.memory_space<vmem>>
      %dma_wait3A_132 = tpu.memref_squeeze %dma_wait3A_131 : memref<1x128xi32, #tpu.memory_space<vmem>> -> memref<128xi32, #tpu.memory_space<vmem>>
      %dma_wait3A_133 = arith.constant 0 : i32
      %dma_wait3A_134 = arith.constant 0 : i32
      %dma_wait3A_135 = tpu.memref_slice %arg13[%dma_wait3A_133, %dma_wait3A_134] : memref<10240x128xf32, #tpu.memory_space<vmem_shared>> -> memref<10240x128xf32, #tpu.memory_space<vmem_shared>>
      tpu.wait_indirect_dma semaphore(%run_scoped3A_123 : memref<!tpu.dma_semaphore, #tpu.memory_space<semaphore_mem>>) src(%arg7 : memref<128x128xf32, #tpu.memory_space<vmem>>) dst(%dma_wait3A_135 : memref<10240x128xf32, #tpu.memory_space<vmem_shared>>)
      tpu.yield
    }) : () -> ()
    %dma_wait3A_110 = arith.constant 0 : i32
    %dma_wait3A_111 = arith.constant 0 : i32
    %dma_wait3A_112 = tpu.memref_slice %arg6[%dma_wait3A_110, %dma_wait3A_111] : memref<2x128xi32, #tpu.memory_space<vmem>> -> memref<1x128xi32, #tpu.memory_space<vmem>>
    %dma_wait3A_113 = tpu.memref_squeeze %dma_wait3A_112 : memref<1x128xi32, #tpu.memory_space<vmem>> -> memref<128xi32, #tpu.memory_space<vmem>>
    %dma_wait3A_114 = arith.constant 0 : i32
    %dma_wait3A_115 = arith.constant 0 : i32
    %dma_wait3A_116 = tpu.memref_slice %arg2[%dma_wait3A_114, %dma_wait3A_115] : memref<10240x128xf32, #tpu.memory_space<hbm>> -> memref<10240x128xf32, #tpu.memory_space<hbm>>
    tpu.wait_indirect_dma semaphore(%arg12 : memref<!tpu.dma_semaphore, #tpu.memory_space<semaphore_mem>>) src(%dma_wait3A_116 : memref<10240x128xf32, #tpu.memory_space<hbm>>) dst(%arg8 : memref<128x128xf32, #tpu.memory_space<vmem>>)
    %run_scoped3A_117 = arith.constant 1 : i32
    "tpu.region"() ({
      %run_scoped3A_123 = tpu.sem_alloc : memref<!tpu.dma_semaphore, #tpu.memory_space<semaphore_mem>>
      %dma_start3A_124 = arith.constant 0 : i32
      %dma_start3A_125 = tpu.memref_slice %arg6[%run_scoped3A_117, %dma_start3A_124] : memref<2x128xi32, #tpu.memory_space<vmem>> -> memref<1x128xi32, #tpu.memory_space<vmem>>
      %dma_start3A_126 = tpu.memref_squeeze %dma_start3A_125 : memref<1x128xi32, #tpu.memory_space<vmem>> -> memref<128xi32, #tpu.memory_space<vmem>>
      %dma_start3A_127 = arith.constant 0 : i32
      %dma_start3A_128 = arith.constant 0 : i32
      %dma_start3A_129 = tpu.memref_slice %arg13[%dma_start3A_127, %dma_start3A_128] : memref<10240x128xf32, #tpu.memory_space<vmem_shared>> -> memref<10240x128xf32, #tpu.memory_space<vmem_shared>>
      tpu.enqueue_indirect_dma source(%arg8 : memref<128x128xf32, #tpu.memory_space<vmem>>) target(%dma_start3A_129 : memref<10240x128xf32, #tpu.memory_space<vmem_shared>>) offsets(%dma_start3A_126 : memref<128xi32, #tpu.memory_space<vmem>>) semaphore(%run_scoped3A_123 : memref<!tpu.dma_semaphore, #tpu.memory_space<semaphore_mem>>) {add = true}
      %dma_wait3A_130 = arith.constant 0 : i32
      %dma_wait3A_131 = tpu.memref_slice %arg6[%run_scoped3A_117, %dma_wait3A_130] : memref<2x128xi32, #tpu.memory_space<vmem>> -> memref<1x128xi32, #tpu.memory_space<vmem>>
      %dma_wait3A_132 = tpu.memref_squeeze %dma_wait3A_131 : memref<1x128xi32, #tpu.memory_space<vmem>> -> memref<128xi32, #tpu.memory_space<vmem>>
      %dma_wait3A_133 = arith.constant 0 : i32
      %dma_wait3A_134 = arith.constant 0 : i32
      %dma_wait3A_135 = tpu.memref_slice %arg13[%dma_wait3A_133, %dma_wait3A_134] : memref<10240x128xf32, #tpu.memory_space<vmem_shared>> -> memref<10240x128xf32, #tpu.memory_space<vmem_shared>>
      tpu.wait_indirect_dma semaphore(%run_scoped3A_123 : memref<!tpu.dma_semaphore, #tpu.memory_space<semaphore_mem>>) src(%arg8 : memref<128x128xf32, #tpu.memory_space<vmem>>) dst(%dma_wait3A_135 : memref<10240x128xf32, #tpu.memory_space<vmem_shared>>)
      tpu.yield
    }) : () -> ()
    %barrier3A_118 = arith.constant 0 : index
    tpu.barrier barrier_id(%barrier3A_118)
    %mul3A_119 = arith.constant 640 : i32
    %mul3A_120 = arith.muli %arg1, %mul3A_119 : i32
    %mul3A_121 = arith.constant 640 : i32
    %mul3A_122 = arith.muli %arg1, %mul3A_121 : i32
    "tpu.region"() ({
      %run_scoped3A_123 = tpu.sem_alloc : memref<!tpu.dma_semaphore, #tpu.memory_space<semaphore_mem>>
      %dma_start3A_124 = arith.constant 0 : i32
      %dma_start3A_125 = tpu.memref_slice %arg4[%arg0, %mul3A_122, %dma_start3A_124] : memref<2x10240x128xf32, #tpu.memory_space<hbm>> -> memref<1x640x128xf32, #tpu.memory_space<hbm>>
      %dma_start3A_126 = tpu.memref_squeeze %dma_start3A_125 : memref<1x640x128xf32, #tpu.memory_space<hbm>> -> memref<640x128xf32, #tpu.memory_space<hbm>>
      %dma_start3A_127 = arith.constant 0 : i32
      %dma_start3A_128 = tpu.memref_slice %arg13[%mul3A_120, %dma_start3A_127] : memref<10240x128xf32, #tpu.memory_space<vmem_shared>> -> memref<640x128xf32, #tpu.memory_space<vmem_shared>>
      tpu.enqueue_dma source(%dma_start3A_128 : memref<640x128xf32, #tpu.memory_space<vmem_shared>>) target(%dma_start3A_126 : memref<640x128xf32, #tpu.memory_space<hbm>>) target_semaphore(%run_scoped3A_123 : memref<!tpu.dma_semaphore, #tpu.memory_space<semaphore_mem>>)
      %dma_wait3A_129 = arith.constant 0 : i32
      %dma_wait3A_130 = tpu.memref_slice %arg4[%arg0, %mul3A_122, %dma_wait3A_129] : memref<2x10240x128xf32, #tpu.memory_space<hbm>> -> memref<1x640x128xf32, #tpu.memory_space<hbm>>
      %dma_wait3A_131 = tpu.memref_squeeze %dma_wait3A_130 : memref<1x640x128xf32, #tpu.memory_space<hbm>> -> memref<640x128xf32, #tpu.memory_space<hbm>>
      %dma_wait3A_132 = arith.constant 0 : i32
      %dma_wait3A_133 = tpu.memref_slice %arg13[%mul3A_120, %dma_wait3A_132] : memref<10240x128xf32, #tpu.memory_space<vmem_shared>> -> memref<640x128xf32, #tpu.memory_space<vmem_shared>>
      tpu.wait_dma2 semaphore(%run_scoped3A_123 : memref<!tpu.dma_semaphore, #tpu.memory_space<semaphore_mem>>) src(%dma_wait3A_133 : memref<640x128xf32, #tpu.memory_space<vmem_shared>>) dst(%dma_wait3A_131 : memref<640x128xf32, #tpu.memory_space<hbm>>)
      tpu.yield
    }) : () -> ()
    return
  }
}

#map = affine_map<(d0, d1) -> (0, 0, 0)>
#map1 = affine_map<(d0, d1) -> (0, 0)>
module attributes {stable_mosaic.version = 14 : i64} {
  func.func @_deg_body(%arg0: i32, %arg1: i32, %arg2: memref<2x16x10240xi32, #tpu.memory_space<hbm>>, %arg3: memref<32x10240xf32, #tpu.memory_space<hbm>>, %arg4: memref<10240xi32, #tpu.memory_space<vmem>>, %arg5: memref<10240xf32, #tpu.memory_space<vmem>>) attributes {dimension_semantics = [#tpu.dimension_semantics<core_parallel>, #tpu.dimension_semantics<subcore_parallel>], iteration_bounds = array<i64: 2, 16>, scalar_prefetch = 0 : i64, scratch_operands = 2 : i64, tpu.core_type = #tpu.core_type<sc_vector_subcore>, window_params = [{transform_indices = #map}, {transform_indices = #map1}]} {
    %mul3A = arith.constant 16 : i32
    %mul3A_0 = arith.muli %arg0, %mul3A : i32
    %add3A = arith.addi %mul3A_0, %arg1 : i32
    "tpu.region"() ({
      %run_scoped3A = tpu.sem_alloc : memref<!tpu.dma_semaphore, #tpu.memory_space<semaphore_mem>>
      %dma_start3A = arith.constant 0 : i32
      %dma_start3A_15 = tpu.memref_slice %arg2[%arg0, %arg1, %dma_start3A] : memref<2x16x10240xi32, #tpu.memory_space<hbm>> -> memref<1x1x10240xi32, #tpu.memory_space<hbm>>
      %dma_start3A_16 = tpu.memref_squeeze %dma_start3A_15 : memref<1x1x10240xi32, #tpu.memory_space<hbm>> -> memref<10240xi32, #tpu.memory_space<hbm>>
      %dma_start3A_17 = arith.constant 0 : i32
      %dma_start3A_18 = tpu.memref_slice %arg2[%arg0, %arg1, %dma_start3A_17] : memref<2x16x10240xi32, #tpu.memory_space<hbm>> -> memref<1x1x10240xi32, #tpu.memory_space<hbm>>
      %dma_start3A_19 = tpu.memref_squeeze %dma_start3A_18 : memref<1x1x10240xi32, #tpu.memory_space<hbm>> -> memref<10240xi32, #tpu.memory_space<hbm>>
      tpu.enqueue_dma source(%dma_start3A_19 : memref<10240xi32, #tpu.memory_space<hbm>>) target(%arg4 : memref<10240xi32, #tpu.memory_space<vmem>>) target_semaphore(%run_scoped3A : memref<!tpu.dma_semaphore, #tpu.memory_space<semaphore_mem>>)
      %dma_wait3A = arith.constant 0 : i32
      %dma_wait3A_20 = tpu.memref_slice %arg2[%arg0, %arg1, %dma_wait3A] : memref<2x16x10240xi32, #tpu.memory_space<hbm>> -> memref<1x1x10240xi32, #tpu.memory_space<hbm>>
      %dma_wait3A_21 = tpu.memref_squeeze %dma_wait3A_20 : memref<1x1x10240xi32, #tpu.memory_space<hbm>> -> memref<10240xi32, #tpu.memory_space<hbm>>
      %dma_wait3A_22 = arith.constant 0 : i32
      %dma_wait3A_23 = tpu.memref_slice %arg2[%arg0, %arg1, %dma_wait3A_22] : memref<2x16x10240xi32, #tpu.memory_space<hbm>> -> memref<1x1x10240xi32, #tpu.memory_space<hbm>>
      %dma_wait3A_24 = tpu.memref_squeeze %dma_wait3A_23 : memref<1x1x10240xi32, #tpu.memory_space<hbm>> -> memref<10240xi32, #tpu.memory_space<hbm>>
      tpu.wait_dma2 semaphore(%run_scoped3A : memref<!tpu.dma_semaphore, #tpu.memory_space<semaphore_mem>>) src(%dma_wait3A_24 : memref<10240xi32, #tpu.memory_space<hbm>>) dst(%arg4 : memref<10240xi32, #tpu.memory_space<vmem>>)
      tpu.yield
    }) : () -> ()
    %broadcast_in_dim3A = arith.constant 0.000000e+00 : f32
    %broadcast_in_dim3A_1 = vector.broadcast %broadcast_in_dim3A : f32 to vector<16xf32>
    %scan3A = arith.constant 0 : i32
    %scan3A_2 = arith.constant 0 : i32
    %scan3A_3 = arith.constant 640 : i32
    %scan3A_4 = arith.addi %scan3A_2, %scan3A_3 : i32
    %scan3A_5 = arith.constant 1 : i32
    scf.for %scan3A_15 = %scan3A_2 to %scan3A_4 step %scan3A_5  : i32 {
      %mul3A_16 = arith.constant 16 : i32
      %mul3A_17 = arith.muli %scan3A_15, %mul3A_16 : i32
      %swap3A = arith.index_cast %mul3A_17 : i32 to index
      %swap3A_18 = tpu.vector_load %arg5[%swap3A] {strides = array<i32>} : memref<10240xf32, #tpu.memory_space<vmem>>, vector<16xf32>,
      tpu.vector_store %arg5[%swap3A], %broadcast_in_dim3A_1 {strides = array<i32>} : memref<10240xf32, #tpu.memory_space<vmem>>, vector<16xf32>,
    }
    %scan3A_6 = arith.constant 640 : i32
    %broadcast_in_dim3A_7 = arith.constant 1.000000e+00 : f32
    %broadcast_in_dim3A_8 = vector.broadcast %broadcast_in_dim3A_7 : f32 to vector<16xf32>
    %scan3A_9 = arith.constant 0 : i32
    %scan3A_10 = arith.constant 0 : i32
    %scan3A_11 = arith.constant 640 : i32
    %scan3A_12 = arith.addi %scan3A_10, %scan3A_11 : i32
    %scan3A_13 = arith.constant 1 : i32
    scf.for %scan3A_15 = %scan3A_10 to %scan3A_12 step %scan3A_13  : i32 {
      %mul3A_16 = arith.constant 16 : i32
      %mul3A_17 = arith.muli %scan3A_15, %mul3A_16 : i32
      %get3A = arith.index_cast %mul3A_17 : i32 to index
      %get3A_18 = tpu.vector_load %arg4[%get3A] {strides = array<i32>} : memref<10240xi32, #tpu.memory_space<vmem>>, vector<16xi32>,
      tpu.vector_store_idx %arg5[%get3A_18], %broadcast_in_dim3A_8 {add = true} : memref<10240xf32, #tpu.memory_space<vmem>>[vector<16xi32>], vector<16xf32>,
    }
    %scan3A_14 = arith.constant 640 : i32
    "tpu.region"() ({
      %run_scoped3A = tpu.sem_alloc : memref<!tpu.dma_semaphore, #tpu.memory_space<semaphore_mem>>
      %dma_start3A = arith.constant 0 : i32
      %dma_start3A_15 = tpu.memref_slice %arg3[%add3A, %dma_start3A] : memref<32x10240xf32, #tpu.memory_space<hbm>> -> memref<1x10240xf32, #tpu.memory_space<hbm>>
      %dma_start3A_16 = tpu.memref_squeeze %dma_start3A_15 : memref<1x10240xf32, #tpu.memory_space<hbm>> -> memref<10240xf32, #tpu.memory_space<hbm>>
      %dma_start3A_17 = arith.constant 0 : i32
      %dma_start3A_18 = tpu.memref_slice %arg3[%add3A, %dma_start3A_17] : memref<32x10240xf32, #tpu.memory_space<hbm>> -> memref<1x10240xf32, #tpu.memory_space<hbm>>
      %dma_start3A_19 = tpu.memref_squeeze %dma_start3A_18 : memref<1x10240xf32, #tpu.memory_space<hbm>> -> memref<10240xf32, #tpu.memory_space<hbm>>
      tpu.enqueue_dma source(%arg5 : memref<10240xf32, #tpu.memory_space<vmem>>) target(%dma_start3A_19 : memref<10240xf32, #tpu.memory_space<hbm>>) target_semaphore(%run_scoped3A : memref<!tpu.dma_semaphore, #tpu.memory_space<semaphore_mem>>)
      %dma_wait3A = arith.constant 0 : i32
      %dma_wait3A_20 = tpu.memref_slice %arg3[%add3A, %dma_wait3A] : memref<32x10240xf32, #tpu.memory_space<hbm>> -> memref<1x10240xf32, #tpu.memory_space<hbm>>
      %dma_wait3A_21 = tpu.memref_squeeze %dma_wait3A_20 : memref<1x10240xf32, #tpu.memory_space<hbm>> -> memref<10240xf32, #tpu.memory_space<hbm>>
      %dma_wait3A_22 = arith.constant 0 : i32
      %dma_wait3A_23 = tpu.memref_slice %arg3[%add3A, %dma_wait3A_22] : memref<32x10240xf32, #tpu.memory_space<hbm>> -> memref<1x10240xf32, #tpu.memory_space<hbm>>
      %dma_wait3A_24 = tpu.memref_squeeze %dma_wait3A_23 : memref<1x10240xf32, #tpu.memory_space<hbm>> -> memref<10240xf32, #tpu.memory_space<hbm>>
      tpu.wait_dma2 semaphore(%run_scoped3A : memref<!tpu.dma_semaphore, #tpu.memory_space<semaphore_mem>>) src(%arg5 : memref<10240xf32, #tpu.memory_space<vmem>>) dst(%dma_wait3A_24 : memref<10240xf32, #tpu.memory_space<hbm>>)
      tpu.yield
    }) : () -> ()
    return
  }
}

#map = affine_map<(d0, d1) -> (0, 0)>
#map1 = affine_map<(d0, d1) -> (0, 0, 0, 0, 0)>
#map2 = affine_map<(d0, d1) -> (0, 0, 0)>
module attributes {stable_mosaic.version = 14 : i64} {
  func.func @_prop_body(%arg0: i32, %arg1: i32, %arg2: memref<10240x128xf32, #tpu.memory_space<hbm>>, %arg3: memref<2x16x80x2x128xi32, #tpu.memory_space<hbm>>, %arg4: memref<2x10240x128xf32, #tpu.memory_space<hbm>>, %arg5: memref<2x128xi32, #tpu.memory_space<vmem>>, %arg6: memref<2x128xi32, #tpu.memory_space<vmem>>, %arg7: memref<128x128xf32, #tpu.memory_space<vmem>>, %arg8: memref<128x128xf32, #tpu.memory_space<vmem>>, %arg9: memref<!tpu.dma_semaphore, #tpu.memory_space<semaphore_mem>>, %arg10: memref<!tpu.dma_semaphore, #tpu.memory_space<semaphore_mem>>, %arg11: memref<!tpu.dma_semaphore, #tpu.memory_space<semaphore_mem>>, %arg12: memref<!tpu.dma_semaphore, #tpu.memory_space<semaphore_mem>>, %arg13: memref<10240x128xf32, #tpu.memory_space<vmem_shared>>) attributes {dimension_semantics = [#tpu.dimension_semantics<core_parallel>, #tpu.dimension_semantics<subcore_parallel>], iteration_bounds = array<i64: 2, 16>, scalar_prefetch = 0 : i64, scratch_operands = 9 : i64, tpu.core_type = #tpu.core_type<sc_vector_subcore>, window_params = [{transform_indices = #map}, {transform_indices = #map1}, {transform_indices = #map2}]} {
    %broadcast_in_dim3A = arith.constant 0.000000e+00 : f32
    %broadcast_in_dim3A_0 = vector.broadcast %broadcast_in_dim3A : f32 to vector<16xf32>
    %scan3A = arith.constant 0 : i32
    %scan3A_1 = arith.constant 0 : i32
    %scan3A_2 = arith.constant 1024 : i32
    %scan3A_3 = arith.addi %scan3A_1, %scan3A_2 : i32
    %scan3A_4 = arith.constant 1 : i32
    scf.for %scan3A_123 = %scan3A_1 to %scan3A_3 step %scan3A_4  : i32 {
      %jit3A_124 = arith.constant 8 : i32
      %div3A_125 = arith.divsi %scan3A_123, %jit3A_124 : i32
      %sign3A_126 = arith.constant 0 : i32
      %sign3A_127 = arith.cmpi sgt, %scan3A_123, %sign3A_126 : i32
      %sign3A_128 = arith.extui %sign3A_127 : i1 to i32
      %sign3A_129 = arith.constant 0 : i32
      %sign3A_130 = arith.cmpi slt, %scan3A_123, %sign3A_129 : i32
      %sign3A_131 = arith.extui %sign3A_130 : i1 to i32
      %sign3A_132 = arith.subi %sign3A_128, %sign3A_131 : i32
      %sign3A_133 = arith.constant 0 : i32
      %sign3A_134 = arith.cmpi sgt, %jit3A_124, %sign3A_133 : i32
      %sign3A_135 = arith.extui %sign3A_134 : i1 to i32
      %sign3A_136 = arith.constant 0 : i32
      %sign3A_137 = arith.cmpi slt, %jit3A_124, %sign3A_136 : i32
      %sign3A_138 = arith.extui %sign3A_137 : i1 to i32
      %sign3A_139 = arith.subi %sign3A_135, %sign3A_138 : i32
      %ne3A_140 = arith.cmpi ne, %sign3A_132, %sign3A_139 : i32
      %rem3A_141 = arith.remsi %scan3A_123, %jit3A_124 : i32
      %ne3A_142 = arith.constant 0 : i32
      %ne3A_143 = arith.cmpi ne, %rem3A_141, %ne3A_142 : i32
      %and3A_144 = arith.andi %ne3A_140, %ne3A_143 : i1
      %sub3A_145 = arith.constant 1 : i32
      %sub3A_146 = arith.subi %div3A_125, %sub3A_145 : i32
      %select_n3A_147 = arith.select %and3A_144, %sub3A_146, %div3A_125 : i32
      %jit3A_148 = arith.constant 8 : i32
      %eq3A_149 = arith.constant 0 : i32
      %eq3A_150 = arith.cmpi eq, %jit3A_148, %eq3A_149 : i32
      %jit3A_151 = arith.constant 1 : i32
      %select_n3A_152 = arith.select %eq3A_150, %jit3A_151, %jit3A_148 : i32
      %rem3A_153 = arith.remsi %scan3A_123, %select_n3A_152 : i32
      %ne3A_154 = arith.constant 0 : i32
      %ne3A_155 = arith.cmpi ne, %rem3A_153, %ne3A_154 : i32
      %lt3A = arith.constant 0 : i32
      %lt3A_156 = arith.cmpi slt, %rem3A_153, %lt3A : i32
      %lt3A_157 = arith.constant 0 : i32
      %lt3A_158 = arith.cmpi slt, %select_n3A_152, %lt3A_157 : i32
      %ne3A_159 = arith.xori %lt3A_156, %lt3A_158 : i1
      %and3A_160 = arith.andi %ne3A_159, %ne3A_155 : i1
      %add3A_161 = arith.addi %rem3A_153, %select_n3A_152 : i32
      %select_n3A_162 = arith.select %and3A_160, %add3A_161, %rem3A_153 : i32
      %mul3A_163 = arith.constant 16 : i32
      %mul3A_164 = arith.muli %select_n3A_162, %mul3A_163 : i32
      %swap3A = arith.index_cast %select_n3A_147 : i32 to index
      %swap3A_165 = arith.index_cast %mul3A_164 : i32 to index
      %swap3A_166 = tpu.vector_load %arg7[%swap3A, %swap3A_165] {strides = array<i32>} : memref<128x128xf32, #tpu.memory_space<vmem>>, vector<1x16xf32>,
      %swap3A_167 = vector.shape_cast %swap3A_166 : vector<1x16xf32> to vector<16xf32>
      %swap3A_168 = vector.shape_cast %broadcast_in_dim3A_0 : vector<16xf32> to vector<1x16xf32>
      tpu.vector_store %arg7[%swap3A, %swap3A_165], %swap3A_168 {strides = array<i32>} : memref<128x128xf32, #tpu.memory_space<vmem>>, vector<1x16xf32>,
    }
    %scan3A_5 = arith.constant 1024 : i32
    %mul3A = arith.constant 640 : i32
    %mul3A_6 = arith.muli %arg1, %mul3A : i32
    %add3A = arith.constant 0 : i32
    %add3A_7 = arith.addi %mul3A_6, %add3A : i32
    "tpu.region"() ({
      %run_scoped3A_123 = tpu.sem_alloc : memref<!tpu.dma_semaphore, #tpu.memory_space<semaphore_mem>>
      %dma_start3A_124 = arith.constant 0 : i32
      %dma_start3A_125 = tpu.memref_slice %arg13[%add3A_7, %dma_start3A_124] : memref<10240x128xf32, #tpu.memory_space<vmem_shared>> -> memref<128x128xf32, #tpu.memory_space<vmem_shared>>
      %dma_start3A_126 = arith.constant 0 : i32
      %dma_start3A_127 = tpu.memref_slice %arg13[%add3A_7, %dma_start3A_126] : memref<10240x128xf32, #tpu.memory_space<vmem_shared>> -> memref<128x128xf32, #tpu.memory_space<vmem_shared>>
      tpu.enqueue_dma source(%arg7 : memref<128x128xf32, #tpu.memory_space<vmem>>) target(%dma_start3A_127 : memref<128x128xf32, #tpu.memory_space<vmem_shared>>) target_semaphore(%run_scoped3A_123 : memref<!tpu.dma_semaphore, #tpu.memory_space<semaphore_mem>>)
      %dma_wait3A_128 = arith.constant 0 : i32
      %dma_wait3A_129 = tpu.memref_slice %arg13[%add3A_7, %dma_wait3A_128] : memref<10240x128xf32, #tpu.memory_space<vmem_shared>> -> memref<128x128xf32, #tpu.memory_space<vmem_shared>>
      %dma_wait3A_130 = arith.constant 0 : i32
      %dma_wait3A_131 = tpu.memref_slice %arg13[%add3A_7, %dma_wait3A_130] : memref<10240x128xf32, #tpu.memory_space<vmem_shared>> -> memref<128x128xf32, #tpu.memory_space<vmem_shared>>
      tpu.wait_dma2 semaphore(%run_scoped3A_123 : memref<!tpu.dma_semaphore, #tpu.memory_space<semaphore_mem>>) src(%arg7 : memref<128x128xf32, #tpu.memory_space<vmem>>) dst(%dma_wait3A_131 : memref<128x128xf32, #tpu.memory_space<vmem_shared>>)
      tpu.yield
    }) : () -> ()
    %mul3A_8 = arith.constant 640 : i32
    %mul3A_9 = arith.muli %arg1, %mul3A_8 : i32
    %add3A_10 = arith.constant 128 : i32
    %add3A_11 = arith.addi %mul3A_9, %add3A_10 : i32
    "tpu.region"() ({
      %run_scoped3A_123 = tpu.sem_alloc : memref<!tpu.dma_semaphore, #tpu.memory_space<semaphore_mem>>
      %dma_start3A_124 = arith.constant 0 : i32
      %dma_start3A_125 = tpu.memref_slice %arg13[%add3A_11, %dma_start3A_124] : memref<10240x128xf32, #tpu.memory_space<vmem_shared>> -> memref<128x128xf32, #tpu.memory_space<vmem_shared>>
      %dma_start3A_126 = arith.constant 0 : i32
      %dma_start3A_127 = tpu.memref_slice %arg13[%add3A_11, %dma_start3A_126] : memref<10240x128xf32, #tpu.memory_space<vmem_shared>> -> memref<128x128xf32, #tpu.memory_space<vmem_shared>>
      tpu.enqueue_dma source(%arg7 : memref<128x128xf32, #tpu.memory_space<vmem>>) target(%dma_start3A_127 : memref<128x128xf32, #tpu.memory_space<vmem_shared>>) target_semaphore(%run_scoped3A_123 : memref<!tpu.dma_semaphore, #tpu.memory_space<semaphore_mem>>)
      %dma_wait3A_128 = arith.constant 0 : i32
      %dma_wait3A_129 = tpu.memref_slice %arg13[%add3A_11, %dma_wait3A_128] : memref<10240x128xf32, #tpu.memory_space<vmem_shared>> -> memref<128x128xf32, #tpu.memory_space<vmem_shared>>
      %dma_wait3A_130 = arith.constant 0 : i32
      %dma_wait3A_131 = tpu.memref_slice %arg13[%add3A_11, %dma_wait3A_130] : memref<10240x128xf32, #tpu.memory_space<vmem_shared>> -> memref<128x128xf32, #tpu.memory_space<vmem_shared>>
      tpu.wait_dma2 semaphore(%run_scoped3A_123 : memref<!tpu.dma_semaphore, #tpu.memory_space<semaphore_mem>>) src(%arg7 : memref<128x128xf32, #tpu.memory_space<vmem>>) dst(%dma_wait3A_131 : memref<128x128xf32, #tpu.memory_space<vmem_shared>>)
      tpu.yield
    }) : () -> ()
    %mul3A_12 = arith.constant 640 : i32
    %mul3A_13 = arith.muli %arg1, %mul3A_12 : i32
    %add3A_14 = arith.constant 256 : i32
    %add3A_15 = arith.addi %mul3A_13, %add3A_14 : i32
    "tpu.region"() ({
      %run_scoped3A_123 = tpu.sem_alloc : memref<!tpu.dma_semaphore, #tpu.memory_space<semaphore_mem>>
      %dma_start3A_124 = arith.constant 0 : i32
      %dma_start3A_125 = tpu.memref_slice %arg13[%add3A_15, %dma_start3A_124] : memref<10240x128xf32, #tpu.memory_space<vmem_shared>> -> memref<128x128xf32, #tpu.memory_space<vmem_shared>>
      %dma_start3A_126 = arith.constant 0 : i32
      %dma_start3A_127 = tpu.memref_slice %arg13[%add3A_15, %dma_start3A_126] : memref<10240x128xf32, #tpu.memory_space<vmem_shared>> -> memref<128x128xf32, #tpu.memory_space<vmem_shared>>
      tpu.enqueue_dma source(%arg7 : memref<128x128xf32, #tpu.memory_space<vmem>>) target(%dma_start3A_127 : memref<128x128xf32, #tpu.memory_space<vmem_shared>>) target_semaphore(%run_scoped3A_123 : memref<!tpu.dma_semaphore, #tpu.memory_space<semaphore_mem>>)
      %dma_wait3A_128 = arith.constant 0 : i32
      %dma_wait3A_129 = tpu.memref_slice %arg13[%add3A_15, %dma_wait3A_128] : memref<10240x128xf32, #tpu.memory_space<vmem_shared>> -> memref<128x128xf32, #tpu.memory_space<vmem_shared>>
      %dma_wait3A_130 = arith.constant 0 : i32
      %dma_wait3A_131 = tpu.memref_slice %arg13[%add3A_15, %dma_wait3A_130] : memref<10240x128xf32, #tpu.memory_space<vmem_shared>> -> memref<128x128xf32, #tpu.memory_space<vmem_shared>>
      tpu.wait_dma2 semaphore(%run_scoped3A_123 : memref<!tpu.dma_semaphore, #tpu.memory_space<semaphore_mem>>) src(%arg7 : memref<128x128xf32, #tpu.memory_space<vmem>>) dst(%dma_wait3A_131 : memref<128x128xf32, #tpu.memory_space<vmem_shared>>)
      tpu.yield
    }) : () -> ()
    %mul3A_16 = arith.constant 640 : i32
    %mul3A_17 = arith.muli %arg1, %mul3A_16 : i32
    %add3A_18 = arith.constant 384 : i32
    %add3A_19 = arith.addi %mul3A_17, %add3A_18 : i32
    "tpu.region"() ({
      %run_scoped3A_123 = tpu.sem_alloc : memref<!tpu.dma_semaphore, #tpu.memory_space<semaphore_mem>>
      %dma_start3A_124 = arith.constant 0 : i32
      %dma_start3A_125 = tpu.memref_slice %arg13[%add3A_19, %dma_start3A_124] : memref<10240x128xf32, #tpu.memory_space<vmem_shared>> -> memref<128x128xf32, #tpu.memory_space<vmem_shared>>
      %dma_start3A_126 = arith.constant 0 : i32
      %dma_start3A_127 = tpu.memref_slice %arg13[%add3A_19, %dma_start3A_126] : memref<10240x128xf32, #tpu.memory_space<vmem_shared>> -> memref<128x128xf32, #tpu.memory_space<vmem_shared>>
      tpu.enqueue_dma source(%arg7 : memref<128x128xf32, #tpu.memory_space<vmem>>) target(%dma_start3A_127 : memref<128x128xf32, #tpu.memory_space<vmem_shared>>) target_semaphore(%run_scoped3A_123 : memref<!tpu.dma_semaphore, #tpu.memory_space<semaphore_mem>>)
      %dma_wait3A_128 = arith.constant 0 : i32
      %dma_wait3A_129 = tpu.memref_slice %arg13[%add3A_19, %dma_wait3A_128] : memref<10240x128xf32, #tpu.memory_space<vmem_shared>> -> memref<128x128xf32, #tpu.memory_space<vmem_shared>>
      %dma_wait3A_130 = arith.constant 0 : i32
      %dma_wait3A_131 = tpu.memref_slice %arg13[%add3A_19, %dma_wait3A_130] : memref<10240x128xf32, #tpu.memory_space<vmem_shared>> -> memref<128x128xf32, #tpu.memory_space<vmem_shared>>
      tpu.wait_dma2 semaphore(%run_scoped3A_123 : memref<!tpu.dma_semaphore, #tpu.memory_space<semaphore_mem>>) src(%arg7 : memref<128x128xf32, #tpu.memory_space<vmem>>) dst(%dma_wait3A_131 : memref<128x128xf32, #tpu.memory_space<vmem_shared>>)
      tpu.yield
    }) : () -> ()
    %mul3A_20 = arith.constant 640 : i32
    %mul3A_21 = arith.muli %arg1, %mul3A_20 : i32
    %add3A_22 = arith.constant 512 : i32
    %add3A_23 = arith.addi %mul3A_21, %add3A_22 : i32
    "tpu.region"() ({
      %run_scoped3A_123 = tpu.sem_alloc : memref<!tpu.dma_semaphore, #tpu.memory_space<semaphore_mem>>
      %dma_start3A_124 = arith.constant 0 : i32
      %dma_start3A_125 = tpu.memref_slice %arg13[%add3A_23, %dma_start3A_124] : memref<10240x128xf32, #tpu.memory_space<vmem_shared>> -> memref<128x128xf32, #tpu.memory_space<vmem_shared>>
      %dma_start3A_126 = arith.constant 0 : i32
      %dma_start3A_127 = tpu.memref_slice %arg13[%add3A_23, %dma_start3A_126] : memref<10240x128xf32, #tpu.memory_space<vmem_shared>> -> memref<128x128xf32, #tpu.memory_space<vmem_shared>>
      tpu.enqueue_dma source(%arg7 : memref<128x128xf32, #tpu.memory_space<vmem>>) target(%dma_start3A_127 : memref<128x128xf32, #tpu.memory_space<vmem_shared>>) target_semaphore(%run_scoped3A_123 : memref<!tpu.dma_semaphore, #tpu.memory_space<semaphore_mem>>)
      %dma_wait3A_128 = arith.constant 0 : i32
      %dma_wait3A_129 = tpu.memref_slice %arg13[%add3A_23, %dma_wait3A_128] : memref<10240x128xf32, #tpu.memory_space<vmem_shared>> -> memref<128x128xf32, #tpu.memory_space<vmem_shared>>
      %dma_wait3A_130 = arith.constant 0 : i32
      %dma_wait3A_131 = tpu.memref_slice %arg13[%add3A_23, %dma_wait3A_130] : memref<10240x128xf32, #tpu.memory_space<vmem_shared>> -> memref<128x128xf32, #tpu.memory_space<vmem_shared>>
      tpu.wait_dma2 semaphore(%run_scoped3A_123 : memref<!tpu.dma_semaphore, #tpu.memory_space<semaphore_mem>>) src(%arg7 : memref<128x128xf32, #tpu.memory_space<vmem>>) dst(%dma_wait3A_131 : memref<128x128xf32, #tpu.memory_space<vmem_shared>>)
      tpu.yield
    }) : () -> ()
    %eq3A = arith.constant 0 : i32
    %eq3A_24 = arith.cmpi eq, %arg0, %eq3A : i32
    %jit3A = arith.constant 80 : i32
    %jit3A_25 = arith.constant 80 : i32
    %select_n3A = arith.select %eq3A_24, %jit3A, %jit3A_25 : i32
    %dma_start3A = arith.constant 0 : i32
    %dma_start3A_26 = arith.constant 0 : i32
    %dma_start3A_27 = arith.constant 0 : i32
    %dma_start3A_28 = tpu.memref_slice %arg3[%arg0, %arg1, %dma_start3A, %dma_start3A_26, %dma_start3A_27] : memref<2x16x80x2x128xi32, #tpu.memory_space<hbm>> -> memref<1x1x1x2x128xi32, #tpu.memory_space<hbm>>
    %dma_start3A_29 = tpu.memref_squeeze %dma_start3A_28 : memref<1x1x1x2x128xi32, #tpu.memory_space<hbm>> -> memref<2x128xi32, #tpu.memory_space<hbm>>
    %dma_start3A_30 = arith.constant 0 : i32
    %dma_start3A_31 = arith.constant 0 : i32
    %dma_start3A_32 = tpu.memref_slice %arg3[%arg0, %arg1, %dma_start3A, %dma_start3A_30, %dma_start3A_31] : memref<2x16x80x2x128xi32, #tpu.memory_space<hbm>> -> memref<1x1x1x2x128xi32, #tpu.memory_space<hbm>>
    %dma_start3A_33 = tpu.memref_squeeze %dma_start3A_32 : memref<1x1x1x2x128xi32, #tpu.memory_space<hbm>> -> memref<2x128xi32, #tpu.memory_space<hbm>>
    tpu.enqueue_dma source(%dma_start3A_33 : memref<2x128xi32, #tpu.memory_space<hbm>>) target(%arg5 : memref<2x128xi32, #tpu.memory_space<vmem>>) target_semaphore(%arg9 : memref<!tpu.dma_semaphore, #tpu.memory_space<semaphore_mem>>)
    %dma_start3A_34 = arith.constant 1 : i32
    %dma_start3A_35 = arith.constant 0 : i32
    %dma_start3A_36 = arith.constant 0 : i32
    %dma_start3A_37 = tpu.memref_slice %arg3[%arg0, %arg1, %dma_start3A_34, %dma_start3A_35, %dma_start3A_36] : memref<2x16x80x2x128xi32, #tpu.memory_space<hbm>> -> memref<1x1x1x2x128xi32, #tpu.memory_space<hbm>>
    %dma_start3A_38 = tpu.memref_squeeze %dma_start3A_37 : memref<1x1x1x2x128xi32, #tpu.memory_space<hbm>> -> memref<2x128xi32, #tpu.memory_space<hbm>>
    %dma_start3A_39 = arith.constant 0 : i32
    %dma_start3A_40 = arith.constant 0 : i32
    %dma_start3A_41 = tpu.memref_slice %arg3[%arg0, %arg1, %dma_start3A_34, %dma_start3A_39, %dma_start3A_40] : memref<2x16x80x2x128xi32, #tpu.memory_space<hbm>> -> memref<1x1x1x2x128xi32, #tpu.memory_space<hbm>>
    %dma_start3A_42 = tpu.memref_squeeze %dma_start3A_41 : memref<1x1x1x2x128xi32, #tpu.memory_space<hbm>> -> memref<2x128xi32, #tpu.memory_space<hbm>>
    tpu.enqueue_dma source(%dma_start3A_42 : memref<2x128xi32, #tpu.memory_space<hbm>>) target(%arg6 : memref<2x128xi32, #tpu.memory_space<vmem>>) target_semaphore(%arg10 : memref<!tpu.dma_semaphore, #tpu.memory_space<semaphore_mem>>)
    %dma_wait3A = arith.constant 0 : i32
    %dma_wait3A_43 = arith.constant 0 : i32
    %dma_wait3A_44 = arith.constant 0 : i32
    %dma_wait3A_45 = tpu.memref_slice %arg3[%arg0, %arg1, %dma_wait3A, %dma_wait3A_43, %dma_wait3A_44] : memref<2x16x80x2x128xi32, #tpu.memory_space<hbm>> -> memref<1x1x1x2x128xi32, #tpu.memory_space<hbm>>
    %dma_wait3A_46 = tpu.memref_squeeze %dma_wait3A_45 : memref<1x1x1x2x128xi32, #tpu.memory_space<hbm>> -> memref<2x128xi32, #tpu.memory_space<hbm>>
    %dma_wait3A_47 = arith.constant 0 : i32
    %dma_wait3A_48 = arith.constant 0 : i32
    %dma_wait3A_49 = tpu.memref_slice %arg3[%arg0, %arg1, %dma_wait3A, %dma_wait3A_47, %dma_wait3A_48] : memref<2x16x80x2x128xi32, #tpu.memory_space<hbm>> -> memref<1x1x1x2x128xi32, #tpu.memory_space<hbm>>
    %dma_wait3A_50 = tpu.memref_squeeze %dma_wait3A_49 : memref<1x1x1x2x128xi32, #tpu.memory_space<hbm>> -> memref<2x128xi32, #tpu.memory_space<hbm>>
    tpu.wait_dma2 semaphore(%arg9 : memref<!tpu.dma_semaphore, #tpu.memory_space<semaphore_mem>>) src(%dma_wait3A_50 : memref<2x128xi32, #tpu.memory_space<hbm>>) dst(%arg5 : memref<2x128xi32, #tpu.memory_space<vmem>>)
    %dma_start3A_51 = arith.constant 0 : i32
    %dma_start3A_52 = arith.constant 0 : i32
    %dma_start3A_53 = tpu.memref_slice %arg5[%dma_start3A_51, %dma_start3A_52] : memref<2x128xi32, #tpu.memory_space<vmem>> -> memref<1x128xi32, #tpu.memory_space<vmem>>
    %dma_start3A_54 = tpu.memref_squeeze %dma_start3A_53 : memref<1x128xi32, #tpu.memory_space<vmem>> -> memref<128xi32, #tpu.memory_space<vmem>>
    %dma_start3A_55 = arith.constant 0 : i32
    %dma_start3A_56 = arith.constant 0 : i32
    %dma_start3A_57 = tpu.memref_slice %arg2[%dma_start3A_55, %dma_start3A_56] : memref<10240x128xf32, #tpu.memory_space<hbm>> -> memref<10240x128xf32, #tpu.memory_space<hbm>>
    tpu.enqueue_indirect_dma source(%dma_start3A_57 : memref<10240x128xf32, #tpu.memory_space<hbm>>) target(%arg7 : memref<128x128xf32, #tpu.memory_space<vmem>>) offsets(%dma_start3A_54 : memref<128xi32, #tpu.memory_space<vmem>>) semaphore(%arg11 : memref<!tpu.dma_semaphore, #tpu.memory_space<semaphore_mem>>)
    %dma_wait3A_58 = arith.constant 1 : i32
    %dma_wait3A_59 = arith.constant 0 : i32
    %dma_wait3A_60 = arith.constant 0 : i32
    %dma_wait3A_61 = tpu.memref_slice %arg3[%arg0, %arg1, %dma_wait3A_58, %dma_wait3A_59, %dma_wait3A_60] : memref<2x16x80x2x128xi32, #tpu.memory_space<hbm>> -> memref<1x1x1x2x128xi32, #tpu.memory_space<hbm>>
    %dma_wait3A_62 = tpu.memref_squeeze %dma_wait3A_61 : memref<1x1x1x2x128xi32, #tpu.memory_space<hbm>> -> memref<2x128xi32, #tpu.memory_space<hbm>>
    %dma_wait3A_63 = arith.constant 0 : i32
    %dma_wait3A_64 = arith.constant 0 : i32
    %dma_wait3A_65 = tpu.memref_slice %arg3[%arg0, %arg1, %dma_wait3A_58, %dma_wait3A_63, %dma_wait3A_64] : memref<2x16x80x2x128xi32, #tpu.memory_space<hbm>> -> memref<1x1x1x2x128xi32, #tpu.memory_space<hbm>>
    %dma_wait3A_66 = tpu.memref_squeeze %dma_wait3A_65 : memref<1x1x1x2x128xi32, #tpu.memory_space<hbm>> -> memref<2x128xi32, #tpu.memory_space<hbm>>
    tpu.wait_dma2 semaphore(%arg10 : memref<!tpu.dma_semaphore, #tpu.memory_space<semaphore_mem>>) src(%dma_wait3A_66 : memref<2x128xi32, #tpu.memory_space<hbm>>) dst(%arg6 : memref<2x128xi32, #tpu.memory_space<vmem>>)
    %dma_start3A_67 = arith.constant 0 : i32
    %dma_start3A_68 = arith.constant 0 : i32
    %dma_start3A_69 = tpu.memref_slice %arg6[%dma_start3A_67, %dma_start3A_68] : memref<2x128xi32, #tpu.memory_space<vmem>> -> memref<1x128xi32, #tpu.memory_space<vmem>>
    %dma_start3A_70 = tpu.memref_squeeze %dma_start3A_69 : memref<1x128xi32, #tpu.memory_space<vmem>> -> memref<128xi32, #tpu.memory_space<vmem>>
    %dma_start3A_71 = arith.constant 0 : i32
    %dma_start3A_72 = arith.constant 0 : i32
    %dma_start3A_73 = tpu.memref_slice %arg2[%dma_start3A_71, %dma_start3A_72] : memref<10240x128xf32, #tpu.memory_space<hbm>> -> memref<10240x128xf32, #tpu.memory_space<hbm>>
    tpu.enqueue_indirect_dma source(%dma_start3A_73 : memref<10240x128xf32, #tpu.memory_space<hbm>>) target(%arg8 : memref<128x128xf32, #tpu.memory_space<vmem>>) offsets(%dma_start3A_70 : memref<128xi32, #tpu.memory_space<vmem>>) semaphore(%arg12 : memref<!tpu.dma_semaphore, #tpu.memory_space<semaphore_mem>>)
    %barrier3A = arith.constant 0 : index
    tpu.barrier barrier_id(%barrier3A)
    %jit3A_74 = arith.constant 2 : i32
    %div3A = arith.divsi %select_n3A, %jit3A_74 : i32
    %sign3A = arith.constant 0 : i32
    %sign3A_75 = arith.cmpi sgt, %select_n3A, %sign3A : i32
    %sign3A_76 = arith.extui %sign3A_75 : i1 to i32
    %sign3A_77 = arith.constant 0 : i32
    %sign3A_78 = arith.cmpi slt, %select_n3A, %sign3A_77 : i32
    %sign3A_79 = arith.extui %sign3A_78 : i1 to i32
    %sign3A_80 = arith.subi %sign3A_76, %sign3A_79 : i32
    %sign3A_81 = arith.constant 0 : i32
    %sign3A_82 = arith.cmpi sgt, %jit3A_74, %sign3A_81 : i32
    %sign3A_83 = arith.extui %sign3A_82 : i1 to i32
    %sign3A_84 = arith.constant 0 : i32
    %sign3A_85 = arith.cmpi slt, %jit3A_74, %sign3A_84 : i32
    %sign3A_86 = arith.extui %sign3A_85 : i1 to i32
    %sign3A_87 = arith.subi %sign3A_83, %sign3A_86 : i32
    %ne3A = arith.cmpi ne, %sign3A_80, %sign3A_87 : i32
    %rem3A = arith.remsi %select_n3A, %jit3A_74 : i32
    %ne3A_88 = arith.constant 0 : i32
    %ne3A_89 = arith.cmpi ne, %rem3A, %ne3A_88 : i32
    %and3A = arith.andi %ne3A, %ne3A_89 : i1
    %sub3A = arith.constant 1 : i32
    %sub3A_90 = arith.subi %div3A, %sub3A : i32
    %select_n3A_91 = arith.select %and3A, %sub3A_90, %div3A : i32
    %sub3A_92 = arith.constant 1 : i32
    %sub3A_93 = arith.subi %select_n3A_91, %sub3A_92 : i32
    %while3A = arith.constant 0 : i32
    %while3A_94 = arith.constant 0 : i32
    %while3A_95 = arith.subi %sub3A_93, %while3A_94 : i32
    %while3A_96 = arith.addi %while3A_94, %while3A_95 : i32
    %while3A_97 = arith.constant 1 : i32
    %while3A_98 = arith.divsi %while3A_95, %while3A_97 : i32
    %while3A_99 = arith.muli %while3A_98, %while3A_97 : i32
    %while3A_100 = arith.addi %while3A_94, %while3A_99 : i32
    %while3A_101 = arith.constant 1 : i32
    scf.for %while3A_123 = %while3A_94 to %while3A_100 step %while3A_101  : i32 {
      %mul3A_124 = arith.constant 2 : i32
      %mul3A_125 = arith.muli %mul3A_124, %while3A_123 : i32
      %dma_wait3A_126 = arith.constant 0 : i32
      %dma_wait3A_127 = arith.constant 0 : i32
      %dma_wait3A_128 = tpu.memref_slice %arg5[%dma_wait3A_126, %dma_wait3A_127] : memref<2x128xi32, #tpu.memory_space<vmem>> -> memref<1x128xi32, #tpu.memory_space<vmem>>
      %dma_wait3A_129 = tpu.memref_squeeze %dma_wait3A_128 : memref<1x128xi32, #tpu.memory_space<vmem>> -> memref<128xi32, #tpu.memory_space<vmem>>
      %dma_wait3A_130 = arith.constant 0 : i32
      %dma_wait3A_131 = arith.constant 0 : i32
      %dma_wait3A_132 = tpu.memref_slice %arg2[%dma_wait3A_130, %dma_wait3A_131] : memref<10240x128xf32, #tpu.memory_space<hbm>> -> memref<10240x128xf32, #tpu.memory_space<hbm>>
      tpu.wait_indirect_dma semaphore(%arg11 : memref<!tpu.dma_semaphore, #tpu.memory_space<semaphore_mem>>) src(%dma_wait3A_132 : memref<10240x128xf32, #tpu.memory_space<hbm>>) dst(%arg7 : memref<128x128xf32, #tpu.memory_space<vmem>>)
      %run_scoped3A_133 = arith.constant 1 : i32
      "tpu.region"() ({
        %run_scoped3A_196 = tpu.sem_alloc : memref<!tpu.dma_semaphore, #tpu.memory_space<semaphore_mem>>
        %dma_start3A_197 = arith.constant 0 : i32
        %dma_start3A_198 = tpu.memref_slice %arg5[%run_scoped3A_133, %dma_start3A_197] : memref<2x128xi32, #tpu.memory_space<vmem>> -> memref<1x128xi32, #tpu.memory_space<vmem>>
        %dma_start3A_199 = tpu.memref_squeeze %dma_start3A_198 : memref<1x128xi32, #tpu.memory_space<vmem>> -> memref<128xi32, #tpu.memory_space<vmem>>
        %dma_start3A_200 = arith.constant 0 : i32
        %dma_start3A_201 = arith.constant 0 : i32
        %dma_start3A_202 = tpu.memref_slice %arg13[%dma_start3A_200, %dma_start3A_201] : memref<10240x128xf32, #tpu.memory_space<vmem_shared>> -> memref<10240x128xf32, #tpu.memory_space<vmem_shared>>
        tpu.enqueue_indirect_dma source(%arg7 : memref<128x128xf32, #tpu.memory_space<vmem>>) target(%dma_start3A_202 : memref<10240x128xf32, #tpu.memory_space<vmem_shared>>) offsets(%dma_start3A_199 : memref<128xi32, #tpu.memory_space<vmem>>) semaphore(%run_scoped3A_196 : memref<!tpu.dma_semaphore, #tpu.memory_space<semaphore_mem>>) {add = true}
        %dma_wait3A_203 = arith.constant 0 : i32
        %dma_wait3A_204 = tpu.memref_slice %arg5[%run_scoped3A_133, %dma_wait3A_203] : memref<2x128xi32, #tpu.memory_space<vmem>> -> memref<1x128xi32, #tpu.memory_space<vmem>>
        %dma_wait3A_205 = tpu.memref_squeeze %dma_wait3A_204 : memref<1x128xi32, #tpu.memory_space<vmem>> -> memref<128xi32, #tpu.memory_space<vmem>>
        %dma_wait3A_206 = arith.constant 0 : i32
        %dma_wait3A_207 = arith.constant 0 : i32
        %dma_wait3A_208 = tpu.memref_slice %arg13[%dma_wait3A_206, %dma_wait3A_207] : memref<10240x128xf32, #tpu.memory_space<vmem_shared>> -> memref<10240x128xf32, #tpu.memory_space<vmem_shared>>
        tpu.wait_indirect_dma semaphore(%run_scoped3A_196 : memref<!tpu.dma_semaphore, #tpu.memory_space<semaphore_mem>>) src(%arg7 : memref<128x128xf32, #tpu.memory_space<vmem>>) dst(%dma_wait3A_208 : memref<10240x128xf32, #tpu.memory_space<vmem_shared>>)
        tpu.yield
      }) : () -> ()
      %add3A_134 = arith.constant 2 : i32
      %add3A_135 = arith.addi %mul3A_125, %add3A_134 : i32
      %dma_start3A_136 = arith.constant 0 : i32
      %dma_start3A_137 = arith.constant 0 : i32
      %dma_start3A_138 = tpu.memref_slice %arg3[%arg0, %arg1, %add3A_135, %dma_start3A_136, %dma_start3A_137] : memref<2x16x80x2x128xi32, #tpu.memory_space<hbm>> -> memref<1x1x1x2x128xi32, #tpu.memory_space<hbm>>
      %dma_start3A_139 = tpu.memref_squeeze %dma_start3A_138 : memref<1x1x1x2x128xi32, #tpu.memory_space<hbm>> -> memref<2x128xi32, #tpu.memory_space<hbm>>
      %dma_start3A_140 = arith.constant 0 : i32
      %dma_start3A_141 = arith.constant 0 : i32
      %dma_start3A_142 = tpu.memref_slice %arg3[%arg0, %arg1, %add3A_135, %dma_start3A_140, %dma_start3A_141] : memref<2x16x80x2x128xi32, #tpu.memory_space<hbm>> -> memref<1x1x1x2x128xi32, #tpu.memory_space<hbm>>
      %dma_start3A_143 = tpu.memref_squeeze %dma_start3A_142 : memref<1x1x1x2x128xi32, #tpu.memory_space<hbm>> -> memref<2x128xi32, #tpu.memory_space<hbm>>
      tpu.enqueue_dma source(%dma_start3A_143 : memref<2x128xi32, #tpu.memory_space<hbm>>) target(%arg5 : memref<2x128xi32, #tpu.memory_space<vmem>>) target_semaphore(%arg9 : memref<!tpu.dma_semaphore, #tpu.memory_space<semaphore_mem>>)
      %add3A_144 = arith.constant 2 : i32
      %add3A_145 = arith.addi %mul3A_125, %add3A_144 : i32
      %dma_wait3A_146 = arith.constant 0 : i32
      %dma_wait3A_147 = arith.constant 0 : i32
      %dma_wait3A_148 = tpu.memref_slice %arg3[%arg0, %arg1, %add3A_145, %dma_wait3A_146, %dma_wait3A_147] : memref<2x16x80x2x128xi32, #tpu.memory_space<hbm>> -> memref<1x1x1x2x128xi32, #tpu.memory_space<hbm>>
      %dma_wait3A_149 = tpu.memref_squeeze %dma_wait3A_148 : memref<1x1x1x2x128xi32, #tpu.memory_space<hbm>> -> memref<2x128xi32, #tpu.memory_space<hbm>>
      %dma_wait3A_150 = arith.constant 0 : i32
      %dma_wait3A_151 = arith.constant 0 : i32
      %dma_wait3A_152 = tpu.memref_slice %arg3[%arg0, %arg1, %add3A_145, %dma_wait3A_150, %dma_wait3A_151] : memref<2x16x80x2x128xi32, #tpu.memory_space<hbm>> -> memref<1x1x1x2x128xi32, #tpu.memory_space<hbm>>
      %dma_wait3A_153 = tpu.memref_squeeze %dma_wait3A_152 : memref<1x1x1x2x128xi32, #tpu.memory_space<hbm>> -> memref<2x128xi32, #tpu.memory_space<hbm>>
      tpu.wait_dma2 semaphore(%arg9 : memref<!tpu.dma_semaphore, #tpu.memory_space<semaphore_mem>>) src(%dma_wait3A_153 : memref<2x128xi32, #tpu.memory_space<hbm>>) dst(%arg5 : memref<2x128xi32, #tpu.memory_space<vmem>>)
      %dma_start3A_154 = arith.constant 0 : i32
      %dma_start3A_155 = arith.constant 0 : i32
      %dma_start3A_156 = tpu.memref_slice %arg5[%dma_start3A_154, %dma_start3A_155] : memref<2x128xi32, #tpu.memory_space<vmem>> -> memref<1x128xi32, #tpu.memory_space<vmem>>
      %dma_start3A_157 = tpu.memref_squeeze %dma_start3A_156 : memref<1x128xi32, #tpu.memory_space<vmem>> -> memref<128xi32, #tpu.memory_space<vmem>>
      %dma_start3A_158 = arith.constant 0 : i32
      %dma_start3A_159 = arith.constant 0 : i32
      %dma_start3A_160 = tpu.memref_slice %arg2[%dma_start3A_158, %dma_start3A_159] : memref<10240x128xf32, #tpu.memory_space<hbm>> -> memref<10240x128xf32, #tpu.memory_space<hbm>>
      tpu.enqueue_indirect_dma source(%dma_start3A_160 : memref<10240x128xf32, #tpu.memory_space<hbm>>) target(%arg7 : memref<128x128xf32, #tpu.memory_space<vmem>>) offsets(%dma_start3A_157 : memref<128xi32, #tpu.memory_space<vmem>>) semaphore(%arg11 : memref<!tpu.dma_semaphore, #tpu.memory_space<semaphore_mem>>)
      %dma_wait3A_161 = arith.constant 0 : i32
      %dma_wait3A_162 = arith.constant 0 : i32
      %dma_wait3A_163 = tpu.memref_slice %arg6[%dma_wait3A_161, %dma_wait3A_162] : memref<2x128xi32, #tpu.memory_space<vmem>> -> memref<1x128xi32, #tpu.memory_space<vmem>>
      %dma_wait3A_164 = tpu.memref_squeeze %dma_wait3A_163 : memref<1x128xi32, #tpu.memory_space<vmem>> -> memref<128xi32, #tpu.memory_space<vmem>>
      %dma_wait3A_165 = arith.constant 0 : i32
      %dma_wait3A_166 = arith.constant 0 : i32
      %dma_wait3A_167 = tpu.memref_slice %arg2[%dma_wait3A_165, %dma_wait3A_166] : memref<10240x128xf32, #tpu.memory_space<hbm>> -> memref<10240x128xf32, #tpu.memory_space<hbm>>
      tpu.wait_indirect_dma semaphore(%arg12 : memref<!tpu.dma_semaphore, #tpu.memory_space<semaphore_mem>>) src(%dma_wait3A_167 : memref<10240x128xf32, #tpu.memory_space<hbm>>) dst(%arg8 : memref<128x128xf32, #tpu.memory_space<vmem>>)
      %run_scoped3A_168 = arith.constant 1 : i32
      "tpu.region"() ({
        %run_scoped3A_196 = tpu.sem_alloc : memref<!tpu.dma_semaphore, #tpu.memory_space<semaphore_mem>>
        %dma_start3A_197 = arith.constant 0 : i32
        %dma_start3A_198 = tpu.memref_slice %arg6[%run_scoped3A_168, %dma_start3A_197] : memref<2x128xi32, #tpu.memory_space<vmem>> -> memref<1x128xi32, #tpu.memory_space<vmem>>
        %dma_start3A_199 = tpu.memref_squeeze %dma_start3A_198 : memref<1x128xi32, #tpu.memory_space<vmem>> -> memref<128xi32, #tpu.memory_space<vmem>>
        %dma_start3A_200 = arith.constant 0 : i32
        %dma_start3A_201 = arith.constant 0 : i32
        %dma_start3A_202 = tpu.memref_slice %arg13[%dma_start3A_200, %dma_start3A_201] : memref<10240x128xf32, #tpu.memory_space<vmem_shared>> -> memref<10240x128xf32, #tpu.memory_space<vmem_shared>>
        tpu.enqueue_indirect_dma source(%arg8 : memref<128x128xf32, #tpu.memory_space<vmem>>) target(%dma_start3A_202 : memref<10240x128xf32, #tpu.memory_space<vmem_shared>>) offsets(%dma_start3A_199 : memref<128xi32, #tpu.memory_space<vmem>>) semaphore(%run_scoped3A_196 : memref<!tpu.dma_semaphore, #tpu.memory_space<semaphore_mem>>) {add = true}
        %dma_wait3A_203 = arith.constant 0 : i32
        %dma_wait3A_204 = tpu.memref_slice %arg6[%run_scoped3A_168, %dma_wait3A_203] : memref<2x128xi32, #tpu.memory_space<vmem>> -> memref<1x128xi32, #tpu.memory_space<vmem>>
        %dma_wait3A_205 = tpu.memref_squeeze %dma_wait3A_204 : memref<1x128xi32, #tpu.memory_space<vmem>> -> memref<128xi32, #tpu.memory_space<vmem>>
        %dma_wait3A_206 = arith.constant 0 : i32
        %dma_wait3A_207 = arith.constant 0 : i32
        %dma_wait3A_208 = tpu.memref_slice %arg13[%dma_wait3A_206, %dma_wait3A_207] : memref<10240x128xf32, #tpu.memory_space<vmem_shared>> -> memref<10240x128xf32, #tpu.memory_space<vmem_shared>>
        tpu.wait_indirect_dma semaphore(%run_scoped3A_196 : memref<!tpu.dma_semaphore, #tpu.memory_space<semaphore_mem>>) src(%arg8 : memref<128x128xf32, #tpu.memory_space<vmem>>) dst(%dma_wait3A_208 : memref<10240x128xf32, #tpu.memory_space<vmem_shared>>)
        tpu.yield
      }) : () -> ()
      %add3A_169 = arith.constant 3 : i32
      %add3A_170 = arith.addi %mul3A_125, %add3A_169 : i32
      %dma_start3A_171 = arith.constant 0 : i32
      %dma_start3A_172 = arith.constant 0 : i32
      %dma_start3A_173 = tpu.memref_slice %arg3[%arg0, %arg1, %add3A_170, %dma_start3A_171, %dma_start3A_172] : memref<2x16x80x2x128xi32, #tpu.memory_space<hbm>> -> memref<1x1x1x2x128xi32, #tpu.memory_space<hbm>>
      %dma_start3A_174 = tpu.memref_squeeze %dma_start3A_173 : memref<1x1x1x2x128xi32, #tpu.memory_space<hbm>> -> memref<2x128xi32, #tpu.memory_space<hbm>>
      %dma_start3A_175 = arith.constant 0 : i32
      %dma_start3A_176 = arith.constant 0 : i32
      %dma_start3A_177 = tpu.memref_slice %arg3[%arg0, %arg1, %add3A_170, %dma_start3A_175, %dma_start3A_176] : memref<2x16x80x2x128xi32, #tpu.memory_space<hbm>> -> memref<1x1x1x2x128xi32, #tpu.memory_space<hbm>>
      %dma_start3A_178 = tpu.memref_squeeze %dma_start3A_177 : memref<1x1x1x2x128xi32, #tpu.memory_space<hbm>> -> memref<2x128xi32, #tpu.memory_space<hbm>>
      tpu.enqueue_dma source(%dma_start3A_178 : memref<2x128xi32, #tpu.memory_space<hbm>>) target(%arg6 : memref<2x128xi32, #tpu.memory_space<vmem>>) target_semaphore(%arg10 : memref<!tpu.dma_semaphore, #tpu.memory_space<semaphore_mem>>)
      %add3A_179 = arith.constant 3 : i32
      %add3A_180 = arith.addi %mul3A_125, %add3A_179 : i32
      %dma_wait3A_181 = arith.constant 0 : i32
      %dma_wait3A_182 = arith.constant 0 : i32
      %dma_wait3A_183 = tpu.memref_slice %arg3[%arg0, %arg1, %add3A_180, %dma_wait3A_181, %dma_wait3A_182] : memref<2x16x80x2x128xi32, #tpu.memory_space<hbm>> -> memref<1x1x1x2x128xi32, #tpu.memory_space<hbm>>
      %dma_wait3A_184 = tpu.memref_squeeze %dma_wait3A_183 : memref<1x1x1x2x128xi32, #tpu.memory_space<hbm>> -> memref<2x128xi32, #tpu.memory_space<hbm>>
      %dma_wait3A_185 = arith.constant 0 : i32
      %dma_wait3A_186 = arith.constant 0 : i32
      %dma_wait3A_187 = tpu.memref_slice %arg3[%arg0, %arg1, %add3A_180, %dma_wait3A_185, %dma_wait3A_186] : memref<2x16x80x2x128xi32, #tpu.memory_space<hbm>> -> memref<1x1x1x2x128xi32, #tpu.memory_space<hbm>>
      %dma_wait3A_188 = tpu.memref_squeeze %dma_wait3A_187 : memref<1x1x1x2x128xi32, #tpu.memory_space<hbm>> -> memref<2x128xi32, #tpu.memory_space<hbm>>
      tpu.wait_dma2 semaphore(%arg10 : memref<!tpu.dma_semaphore, #tpu.memory_space<semaphore_mem>>) src(%dma_wait3A_188 : memref<2x128xi32, #tpu.memory_space<hbm>>) dst(%arg6 : memref<2x128xi32, #tpu.memory_space<vmem>>)
      %dma_start3A_189 = arith.constant 0 : i32
      %dma_start3A_190 = arith.constant 0 : i32
      %dma_start3A_191 = tpu.memref_slice %arg6[%dma_start3A_189, %dma_start3A_190] : memref<2x128xi32, #tpu.memory_space<vmem>> -> memref<1x128xi32, #tpu.memory_space<vmem>>
      %dma_start3A_192 = tpu.memref_squeeze %dma_start3A_191 : memref<1x128xi32, #tpu.memory_space<vmem>> -> memref<128xi32, #tpu.memory_space<vmem>>
      %dma_start3A_193 = arith.constant 0 : i32
      %dma_start3A_194 = arith.constant 0 : i32
      %dma_start3A_195 = tpu.memref_slice %arg2[%dma_start3A_193, %dma_start3A_194] : memref<10240x128xf32, #tpu.memory_space<hbm>> -> memref<10240x128xf32, #tpu.memory_space<hbm>>
      tpu.enqueue_indirect_dma source(%dma_start3A_195 : memref<10240x128xf32, #tpu.memory_space<hbm>>) target(%arg8 : memref<128x128xf32, #tpu.memory_space<vmem>>) offsets(%dma_start3A_192 : memref<128xi32, #tpu.memory_space<vmem>>) semaphore(%arg12 : memref<!tpu.dma_semaphore, #tpu.memory_space<semaphore_mem>>)
    }
    %while3A_102 = arith.constant 1 : i32
    scf.for %while3A_123 = %while3A_100 to %while3A_96 step %while3A_102  : i32 {
      %mul3A_124 = arith.constant 2 : i32
      %mul3A_125 = arith.muli %mul3A_124, %while3A_123 : i32
      %dma_wait3A_126 = arith.constant 0 : i32
      %dma_wait3A_127 = arith.constant 0 : i32
      %dma_wait3A_128 = tpu.memref_slice %arg5[%dma_wait3A_126, %dma_wait3A_127] : memref<2x128xi32, #tpu.memory_space<vmem>> -> memref<1x128xi32, #tpu.memory_space<vmem>>
      %dma_wait3A_129 = tpu.memref_squeeze %dma_wait3A_128 : memref<1x128xi32, #tpu.memory_space<vmem>> -> memref<128xi32, #tpu.memory_space<vmem>>
      %dma_wait3A_130 = arith.constant 0 : i32
      %dma_wait3A_131 = arith.constant 0 : i32
      %dma_wait3A_132 = tpu.memref_slice %arg2[%dma_wait3A_130, %dma_wait3A_131] : memref<10240x128xf32, #tpu.memory_space<hbm>> -> memref<10240x128xf32, #tpu.memory_space<hbm>>
      tpu.wait_indirect_dma semaphore(%arg11 : memref<!tpu.dma_semaphore, #tpu.memory_space<semaphore_mem>>) src(%dma_wait3A_132 : memref<10240x128xf32, #tpu.memory_space<hbm>>) dst(%arg7 : memref<128x128xf32, #tpu.memory_space<vmem>>)
      %run_scoped3A_133 = arith.constant 1 : i32
      "tpu.region"() ({
        %run_scoped3A_196 = tpu.sem_alloc : memref<!tpu.dma_semaphore, #tpu.memory_space<semaphore_mem>>
        %dma_start3A_197 = arith.constant 0 : i32
        %dma_start3A_198 = tpu.memref_slice %arg5[%run_scoped3A_133, %dma_start3A_197] : memref<2x128xi32, #tpu.memory_space<vmem>> -> memref<1x128xi32, #tpu.memory_space<vmem>>
        %dma_start3A_199 = tpu.memref_squeeze %dma_start3A_198 : memref<1x128xi32, #tpu.memory_space<vmem>> -> memref<128xi32, #tpu.memory_space<vmem>>
        %dma_start3A_200 = arith.constant 0 : i32
        %dma_start3A_201 = arith.constant 0 : i32
        %dma_start3A_202 = tpu.memref_slice %arg13[%dma_start3A_200, %dma_start3A_201] : memref<10240x128xf32, #tpu.memory_space<vmem_shared>> -> memref<10240x128xf32, #tpu.memory_space<vmem_shared>>
        tpu.enqueue_indirect_dma source(%arg7 : memref<128x128xf32, #tpu.memory_space<vmem>>) target(%dma_start3A_202 : memref<10240x128xf32, #tpu.memory_space<vmem_shared>>) offsets(%dma_start3A_199 : memref<128xi32, #tpu.memory_space<vmem>>) semaphore(%run_scoped3A_196 : memref<!tpu.dma_semaphore, #tpu.memory_space<semaphore_mem>>) {add = true}
        %dma_wait3A_203 = arith.constant 0 : i32
        %dma_wait3A_204 = tpu.memref_slice %arg5[%run_scoped3A_133, %dma_wait3A_203] : memref<2x128xi32, #tpu.memory_space<vmem>> -> memref<1x128xi32, #tpu.memory_space<vmem>>
        %dma_wait3A_205 = tpu.memref_squeeze %dma_wait3A_204 : memref<1x128xi32, #tpu.memory_space<vmem>> -> memref<128xi32, #tpu.memory_space<vmem>>
        %dma_wait3A_206 = arith.constant 0 : i32
        %dma_wait3A_207 = arith.constant 0 : i32
        %dma_wait3A_208 = tpu.memref_slice %arg13[%dma_wait3A_206, %dma_wait3A_207] : memref<10240x128xf32, #tpu.memory_space<vmem_shared>> -> memref<10240x128xf32, #tpu.memory_space<vmem_shared>>
        tpu.wait_indirect_dma semaphore(%run_scoped3A_196 : memref<!tpu.dma_semaphore, #tpu.memory_space<semaphore_mem>>) src(%arg7 : memref<128x128xf32, #tpu.memory_space<vmem>>) dst(%dma_wait3A_208 : memref<10240x128xf32, #tpu.memory_space<vmem_shared>>)
        tpu.yield
      }) : () -> ()
      %add3A_134 = arith.constant 2 : i32
      %add3A_135 = arith.addi %mul3A_125, %add3A_134 : i32
      %dma_start3A_136 = arith.constant 0 : i32
      %dma_start3A_137 = arith.constant 0 : i32
      %dma_start3A_138 = tpu.memref_slice %arg3[%arg0, %arg1, %add3A_135, %dma_start3A_136, %dma_start3A_137] : memref<2x16x80x2x128xi32, #tpu.memory_space<hbm>> -> memref<1x1x1x2x128xi32, #tpu.memory_space<hbm>>
      %dma_start3A_139 = tpu.memref_squeeze %dma_start3A_138 : memref<1x1x1x2x128xi32, #tpu.memory_space<hbm>> -> memref<2x128xi32, #tpu.memory_space<hbm>>
      %dma_start3A_140 = arith.constant 0 : i32
      %dma_start3A_141 = arith.constant 0 : i32
      %dma_start3A_142 = tpu.memref_slice %arg3[%arg0, %arg1, %add3A_135, %dma_start3A_140, %dma_start3A_141] : memref<2x16x80x2x128xi32, #tpu.memory_space<hbm>> -> memref<1x1x1x2x128xi32, #tpu.memory_space<hbm>>
      %dma_start3A_143 = tpu.memref_squeeze %dma_start3A_142 : memref<1x1x1x2x128xi32, #tpu.memory_space<hbm>> -> memref<2x128xi32, #tpu.memory_space<hbm>>
      tpu.enqueue_dma source(%dma_start3A_143 : memref<2x128xi32, #tpu.memory_space<hbm>>) target(%arg5 : memref<2x128xi32, #tpu.memory_space<vmem>>) target_semaphore(%arg9 : memref<!tpu.dma_semaphore, #tpu.memory_space<semaphore_mem>>)
      %add3A_144 = arith.constant 2 : i32
      %add3A_145 = arith.addi %mul3A_125, %add3A_144 : i32
      %dma_wait3A_146 = arith.constant 0 : i32
      %dma_wait3A_147 = arith.constant 0 : i32
      %dma_wait3A_148 = tpu.memref_slice %arg3[%arg0, %arg1, %add3A_145, %dma_wait3A_146, %dma_wait3A_147] : memref<2x16x80x2x128xi32, #tpu.memory_space<hbm>> -> memref<1x1x1x2x128xi32, #tpu.memory_space<hbm>>
      %dma_wait3A_149 = tpu.memref_squeeze %dma_wait3A_148 : memref<1x1x1x2x128xi32, #tpu.memory_space<hbm>> -> memref<2x128xi32, #tpu.memory_space<hbm>>
      %dma_wait3A_150 = arith.constant 0 : i32
      %dma_wait3A_151 = arith.constant 0 : i32
      %dma_wait3A_152 = tpu.memref_slice %arg3[%arg0, %arg1, %add3A_145, %dma_wait3A_150, %dma_wait3A_151] : memref<2x16x80x2x128xi32, #tpu.memory_space<hbm>> -> memref<1x1x1x2x128xi32, #tpu.memory_space<hbm>>
      %dma_wait3A_153 = tpu.memref_squeeze %dma_wait3A_152 : memref<1x1x1x2x128xi32, #tpu.memory_space<hbm>> -> memref<2x128xi32, #tpu.memory_space<hbm>>
      tpu.wait_dma2 semaphore(%arg9 : memref<!tpu.dma_semaphore, #tpu.memory_space<semaphore_mem>>) src(%dma_wait3A_153 : memref<2x128xi32, #tpu.memory_space<hbm>>) dst(%arg5 : memref<2x128xi32, #tpu.memory_space<vmem>>)
      %dma_start3A_154 = arith.constant 0 : i32
      %dma_start3A_155 = arith.constant 0 : i32
      %dma_start3A_156 = tpu.memref_slice %arg5[%dma_start3A_154, %dma_start3A_155] : memref<2x128xi32, #tpu.memory_space<vmem>> -> memref<1x128xi32, #tpu.memory_space<vmem>>
      %dma_start3A_157 = tpu.memref_squeeze %dma_start3A_156 : memref<1x128xi32, #tpu.memory_space<vmem>> -> memref<128xi32, #tpu.memory_space<vmem>>
      %dma_start3A_158 = arith.constant 0 : i32
      %dma_start3A_159 = arith.constant 0 : i32
      %dma_start3A_160 = tpu.memref_slice %arg2[%dma_start3A_158, %dma_start3A_159] : memref<10240x128xf32, #tpu.memory_space<hbm>> -> memref<10240x128xf32, #tpu.memory_space<hbm>>
      tpu.enqueue_indirect_dma source(%dma_start3A_160 : memref<10240x128xf32, #tpu.memory_space<hbm>>) target(%arg7 : memref<128x128xf32, #tpu.memory_space<vmem>>) offsets(%dma_start3A_157 : memref<128xi32, #tpu.memory_space<vmem>>) semaphore(%arg11 : memref<!tpu.dma_semaphore, #tpu.memory_space<semaphore_mem>>)
      %dma_wait3A_161 = arith.constant 0 : i32
      %dma_wait3A_162 = arith.constant 0 : i32
      %dma_wait3A_163 = tpu.memref_slice %arg6[%dma_wait3A_161, %dma_wait3A_162] : memref<2x128xi32, #tpu.memory_space<vmem>> -> memref<1x128xi32, #tpu.memory_space<vmem>>
      %dma_wait3A_164 = tpu.memref_squeeze %dma_wait3A_163 : memref<1x128xi32, #tpu.memory_space<vmem>> -> memref<128xi32, #tpu.memory_space<vmem>>
      %dma_wait3A_165 = arith.constant 0 : i32
      %dma_wait3A_166 = arith.constant 0 : i32
      %dma_wait3A_167 = tpu.memref_slice %arg2[%dma_wait3A_165, %dma_wait3A_166] : memref<10240x128xf32, #tpu.memory_space<hbm>> -> memref<10240x128xf32, #tpu.memory_space<hbm>>
      tpu.wait_indirect_dma semaphore(%arg12 : memref<!tpu.dma_semaphore, #tpu.memory_space<semaphore_mem>>) src(%dma_wait3A_167 : memref<10240x128xf32, #tpu.memory_space<hbm>>) dst(%arg8 : memref<128x128xf32, #tpu.memory_space<vmem>>)
      %run_scoped3A_168 = arith.constant 1 : i32
      "tpu.region"() ({
        %run_scoped3A_196 = tpu.sem_alloc : memref<!tpu.dma_semaphore, #tpu.memory_space<semaphore_mem>>
        %dma_start3A_197 = arith.constant 0 : i32
        %dma_start3A_198 = tpu.memref_slice %arg6[%run_scoped3A_168, %dma_start3A_197] : memref<2x128xi32, #tpu.memory_space<vmem>> -> memref<1x128xi32, #tpu.memory_space<vmem>>
        %dma_start3A_199 = tpu.memref_squeeze %dma_start3A_198 : memref<1x128xi32, #tpu.memory_space<vmem>> -> memref<128xi32, #tpu.memory_space<vmem>>
        %dma_start3A_200 = arith.constant 0 : i32
        %dma_start3A_201 = arith.constant 0 : i32
        %dma_start3A_202 = tpu.memref_slice %arg13[%dma_start3A_200, %dma_start3A_201] : memref<10240x128xf32, #tpu.memory_space<vmem_shared>> -> memref<10240x128xf32, #tpu.memory_space<vmem_shared>>
        tpu.enqueue_indirect_dma source(%arg8 : memref<128x128xf32, #tpu.memory_space<vmem>>) target(%dma_start3A_202 : memref<10240x128xf32, #tpu.memory_space<vmem_shared>>) offsets(%dma_start3A_199 : memref<128xi32, #tpu.memory_space<vmem>>) semaphore(%run_scoped3A_196 : memref<!tpu.dma_semaphore, #tpu.memory_space<semaphore_mem>>) {add = true}
        %dma_wait3A_203 = arith.constant 0 : i32
        %dma_wait3A_204 = tpu.memref_slice %arg6[%run_scoped3A_168, %dma_wait3A_203] : memref<2x128xi32, #tpu.memory_space<vmem>> -> memref<1x128xi32, #tpu.memory_space<vmem>>
        %dma_wait3A_205 = tpu.memref_squeeze %dma_wait3A_204 : memref<1x128xi32, #tpu.memory_space<vmem>> -> memref<128xi32, #tpu.memory_space<vmem>>
        %dma_wait3A_206 = arith.constant 0 : i32
        %dma_wait3A_207 = arith.constant 0 : i32
        %dma_wait3A_208 = tpu.memref_slice %arg13[%dma_wait3A_206, %dma_wait3A_207] : memref<10240x128xf32, #tpu.memory_space<vmem_shared>> -> memref<10240x128xf32, #tpu.memory_space<vmem_shared>>
        tpu.wait_indirect_dma semaphore(%run_scoped3A_196 : memref<!tpu.dma_semaphore, #tpu.memory_space<semaphore_mem>>) src(%arg8 : memref<128x128xf32, #tpu.memory_space<vmem>>) dst(%dma_wait3A_208 : memref<10240x128xf32, #tpu.memory_space<vmem_shared>>)
        tpu.yield
      }) : () -> ()
      %add3A_169 = arith.constant 3 : i32
      %add3A_170 = arith.addi %mul3A_125, %add3A_169 : i32
      %dma_start3A_171 = arith.constant 0 : i32
      %dma_start3A_172 = arith.constant 0 : i32
      %dma_start3A_173 = tpu.memref_slice %arg3[%arg0, %arg1, %add3A_170, %dma_start3A_171, %dma_start3A_172] : memref<2x16x80x2x128xi32, #tpu.memory_space<hbm>> -> memref<1x1x1x2x128xi32, #tpu.memory_space<hbm>>
      %dma_start3A_174 = tpu.memref_squeeze %dma_start3A_173 : memref<1x1x1x2x128xi32, #tpu.memory_space<hbm>> -> memref<2x128xi32, #tpu.memory_space<hbm>>
      %dma_start3A_175 = arith.constant 0 : i32
      %dma_start3A_176 = arith.constant 0 : i32
      %dma_start3A_177 = tpu.memref_slice %arg3[%arg0, %arg1, %add3A_170, %dma_start3A_175, %dma_start3A_176] : memref<2x16x80x2x128xi32, #tpu.memory_space<hbm>> -> memref<1x1x1x2x128xi32, #tpu.memory_space<hbm>>
      %dma_start3A_178 = tpu.memref_squeeze %dma_start3A_177 : memref<1x1x1x2x128xi32, #tpu.memory_space<hbm>> -> memref<2x128xi32, #tpu.memory_space<hbm>>
      tpu.enqueue_dma source(%dma_start3A_178 : memref<2x128xi32, #tpu.memory_space<hbm>>) target(%arg6 : memref<2x128xi32, #tpu.memory_space<vmem>>) target_semaphore(%arg10 : memref<!tpu.dma_semaphore, #tpu.memory_space<semaphore_mem>>)
      %add3A_179 = arith.constant 3 : i32
      %add3A_180 = arith.addi %mul3A_125, %add3A_179 : i32
      %dma_wait3A_181 = arith.constant 0 : i32
      %dma_wait3A_182 = arith.constant 0 : i32
      %dma_wait3A_183 = tpu.memref_slice %arg3[%arg0, %arg1, %add3A_180, %dma_wait3A_181, %dma_wait3A_182] : memref<2x16x80x2x128xi32, #tpu.memory_space<hbm>> -> memref<1x1x1x2x128xi32, #tpu.memory_space<hbm>>
      %dma_wait3A_184 = tpu.memref_squeeze %dma_wait3A_183 : memref<1x1x1x2x128xi32, #tpu.memory_space<hbm>> -> memref<2x128xi32, #tpu.memory_space<hbm>>
      %dma_wait3A_185 = arith.constant 0 : i32
      %dma_wait3A_186 = arith.constant 0 : i32
      %dma_wait3A_187 = tpu.memref_slice %arg3[%arg0, %arg1, %add3A_180, %dma_wait3A_185, %dma_wait3A_186] : memref<2x16x80x2x128xi32, #tpu.memory_space<hbm>> -> memref<1x1x1x2x128xi32, #tpu.memory_space<hbm>>
      %dma_wait3A_188 = tpu.memref_squeeze %dma_wait3A_187 : memref<1x1x1x2x128xi32, #tpu.memory_space<hbm>> -> memref<2x128xi32, #tpu.memory_space<hbm>>
      tpu.wait_dma2 semaphore(%arg10 : memref<!tpu.dma_semaphore, #tpu.memory_space<semaphore_mem>>) src(%dma_wait3A_188 : memref<2x128xi32, #tpu.memory_space<hbm>>) dst(%arg6 : memref<2x128xi32, #tpu.memory_space<vmem>>)
      %dma_start3A_189 = arith.constant 0 : i32
      %dma_start3A_190 = arith.constant 0 : i32
      %dma_start3A_191 = tpu.memref_slice %arg6[%dma_start3A_189, %dma_start3A_190] : memref<2x128xi32, #tpu.memory_space<vmem>> -> memref<1x128xi32, #tpu.memory_space<vmem>>
      %dma_start3A_192 = tpu.memref_squeeze %dma_start3A_191 : memref<1x128xi32, #tpu.memory_space<vmem>> -> memref<128xi32, #tpu.memory_space<vmem>>
      %dma_start3A_193 = arith.constant 0 : i32
      %dma_start3A_194 = arith.constant 0 : i32
      %dma_start3A_195 = tpu.memref_slice %arg2[%dma_start3A_193, %dma_start3A_194] : memref<10240x128xf32, #tpu.memory_space<hbm>> -> memref<10240x128xf32, #tpu.memory_space<hbm>>
      tpu.enqueue_indirect_dma source(%dma_start3A_195 : memref<10240x128xf32, #tpu.memory_space<hbm>>) target(%arg8 : memref<128x128xf32, #tpu.memory_space<vmem>>) offsets(%dma_start3A_192 : memref<128xi32, #tpu.memory_space<vmem>>) semaphore(%arg12 : memref<!tpu.dma_semaphore, #tpu.memory_space<semaphore_mem>>)
    }
    %dma_wait3A_103 = arith.constant 0 : i32
    %dma_wait3A_104 = arith.constant 0 : i32
    %dma_wait3A_105 = tpu.memref_slice %arg5[%dma_wait3A_103, %dma_wait3A_104] : memref<2x128xi32, #tpu.memory_space<vmem>> -> memref<1x128xi32, #tpu.memory_space<vmem>>
    %dma_wait3A_106 = tpu.memref_squeeze %dma_wait3A_105 : memref<1x128xi32, #tpu.memory_space<vmem>> -> memref<128xi32, #tpu.memory_space<vmem>>
    %dma_wait3A_107 = arith.constant 0 : i32
    %dma_wait3A_108 = arith.constant 0 : i32
    %dma_wait3A_109 = tpu.memref_slice %arg2[%dma_wait3A_107, %dma_wait3A_108] : memref<10240x128xf32, #tpu.memory_space<hbm>> -> memref<10240x128xf32, #tpu.memory_space<hbm>>
    tpu.wait_indirect_dma semaphore(%arg11 : memref<!tpu.dma_semaphore, #tpu.memory_space<semaphore_mem>>) src(%dma_wait3A_109 : memref<10240x128xf32, #tpu.memory_space<hbm>>) dst(%arg7 : memref<128x128xf32, #tpu.memory_space<vmem>>)
    %run_scoped3A = arith.constant 1 : i32
    "tpu.region"() ({
      %run_scoped3A_123 = tpu.sem_alloc : memref<!tpu.dma_semaphore, #tpu.memory_space<semaphore_mem>>
      %dma_start3A_124 = arith.constant 0 : i32
      %dma_start3A_125 = tpu.memref_slice %arg5[%run_scoped3A, %dma_start3A_124] : memref<2x128xi32, #tpu.memory_space<vmem>> -> memref<1x128xi32, #tpu.memory_space<vmem>>
      %dma_start3A_126 = tpu.memref_squeeze %dma_start3A_125 : memref<1x128xi32, #tpu.memory_space<vmem>> -> memref<128xi32, #tpu.memory_space<vmem>>
      %dma_start3A_127 = arith.constant 0 : i32
      %dma_start3A_128 = arith.constant 0 : i32
      %dma_start3A_129 = tpu.memref_slice %arg13[%dma_start3A_127, %dma_start3A_128] : memref<10240x128xf32, #tpu.memory_space<vmem_shared>> -> memref<10240x128xf32, #tpu.memory_space<vmem_shared>>
      tpu.enqueue_indirect_dma source(%arg7 : memref<128x128xf32, #tpu.memory_space<vmem>>) target(%dma_start3A_129 : memref<10240x128xf32, #tpu.memory_space<vmem_shared>>) offsets(%dma_start3A_126 : memref<128xi32, #tpu.memory_space<vmem>>) semaphore(%run_scoped3A_123 : memref<!tpu.dma_semaphore, #tpu.memory_space<semaphore_mem>>) {add = true}
      %dma_wait3A_130 = arith.constant 0 : i32
      %dma_wait3A_131 = tpu.memref_slice %arg5[%run_scoped3A, %dma_wait3A_130] : memref<2x128xi32, #tpu.memory_space<vmem>> -> memref<1x128xi32, #tpu.memory_space<vmem>>
      %dma_wait3A_132 = tpu.memref_squeeze %dma_wait3A_131 : memref<1x128xi32, #tpu.memory_space<vmem>> -> memref<128xi32, #tpu.memory_space<vmem>>
      %dma_wait3A_133 = arith.constant 0 : i32
      %dma_wait3A_134 = arith.constant 0 : i32
      %dma_wait3A_135 = tpu.memref_slice %arg13[%dma_wait3A_133, %dma_wait3A_134] : memref<10240x128xf32, #tpu.memory_space<vmem_shared>> -> memref<10240x128xf32, #tpu.memory_space<vmem_shared>>
      tpu.wait_indirect_dma semaphore(%run_scoped3A_123 : memref<!tpu.dma_semaphore, #tpu.memory_space<semaphore_mem>>) src(%arg7 : memref<128x128xf32, #tpu.memory_space<vmem>>) dst(%dma_wait3A_135 : memref<10240x128xf32, #tpu.memory_space<vmem_shared>>)
      tpu.yield
    }) : () -> ()
    %dma_wait3A_110 = arith.constant 0 : i32
    %dma_wait3A_111 = arith.constant 0 : i32
    %dma_wait3A_112 = tpu.memref_slice %arg6[%dma_wait3A_110, %dma_wait3A_111] : memref<2x128xi32, #tpu.memory_space<vmem>> -> memref<1x128xi32, #tpu.memory_space<vmem>>
    %dma_wait3A_113 = tpu.memref_squeeze %dma_wait3A_112 : memref<1x128xi32, #tpu.memory_space<vmem>> -> memref<128xi32, #tpu.memory_space<vmem>>
    %dma_wait3A_114 = arith.constant 0 : i32
    %dma_wait3A_115 = arith.constant 0 : i32
    %dma_wait3A_116 = tpu.memref_slice %arg2[%dma_wait3A_114, %dma_wait3A_115] : memref<10240x128xf32, #tpu.memory_space<hbm>> -> memref<10240x128xf32, #tpu.memory_space<hbm>>
    tpu.wait_indirect_dma semaphore(%arg12 : memref<!tpu.dma_semaphore, #tpu.memory_space<semaphore_mem>>) src(%dma_wait3A_116 : memref<10240x128xf32, #tpu.memory_space<hbm>>) dst(%arg8 : memref<128x128xf32, #tpu.memory_space<vmem>>)
    %run_scoped3A_117 = arith.constant 1 : i32
    "tpu.region"() ({
      %run_scoped3A_123 = tpu.sem_alloc : memref<!tpu.dma_semaphore, #tpu.memory_space<semaphore_mem>>
      %dma_start3A_124 = arith.constant 0 : i32
      %dma_start3A_125 = tpu.memref_slice %arg6[%run_scoped3A_117, %dma_start3A_124] : memref<2x128xi32, #tpu.memory_space<vmem>> -> memref<1x128xi32, #tpu.memory_space<vmem>>
      %dma_start3A_126 = tpu.memref_squeeze %dma_start3A_125 : memref<1x128xi32, #tpu.memory_space<vmem>> -> memref<128xi32, #tpu.memory_space<vmem>>
      %dma_start3A_127 = arith.constant 0 : i32
      %dma_start3A_128 = arith.constant 0 : i32
      %dma_start3A_129 = tpu.memref_slice %arg13[%dma_start3A_127, %dma_start3A_128] : memref<10240x128xf32, #tpu.memory_space<vmem_shared>> -> memref<10240x128xf32, #tpu.memory_space<vmem_shared>>
      tpu.enqueue_indirect_dma source(%arg8 : memref<128x128xf32, #tpu.memory_space<vmem>>) target(%dma_start3A_129 : memref<10240x128xf32, #tpu.memory_space<vmem_shared>>) offsets(%dma_start3A_126 : memref<128xi32, #tpu.memory_space<vmem>>) semaphore(%run_scoped3A_123 : memref<!tpu.dma_semaphore, #tpu.memory_space<semaphore_mem>>) {add = true}
      %dma_wait3A_130 = arith.constant 0 : i32
      %dma_wait3A_131 = tpu.memref_slice %arg6[%run_scoped3A_117, %dma_wait3A_130] : memref<2x128xi32, #tpu.memory_space<vmem>> -> memref<1x128xi32, #tpu.memory_space<vmem>>
      %dma_wait3A_132 = tpu.memref_squeeze %dma_wait3A_131 : memref<1x128xi32, #tpu.memory_space<vmem>> -> memref<128xi32, #tpu.memory_space<vmem>>
      %dma_wait3A_133 = arith.constant 0 : i32
      %dma_wait3A_134 = arith.constant 0 : i32
      %dma_wait3A_135 = tpu.memref_slice %arg13[%dma_wait3A_133, %dma_wait3A_134] : memref<10240x128xf32, #tpu.memory_space<vmem_shared>> -> memref<10240x128xf32, #tpu.memory_space<vmem_shared>>
      tpu.wait_indirect_dma semaphore(%run_scoped3A_123 : memref<!tpu.dma_semaphore, #tpu.memory_space<semaphore_mem>>) src(%arg8 : memref<128x128xf32, #tpu.memory_space<vmem>>) dst(%dma_wait3A_135 : memref<10240x128xf32, #tpu.memory_space<vmem_shared>>)
      tpu.yield
    }) : () -> ()
    %barrier3A_118 = arith.constant 0 : index
    tpu.barrier barrier_id(%barrier3A_118)
    %mul3A_119 = arith.constant 640 : i32
    %mul3A_120 = arith.muli %arg1, %mul3A_119 : i32
    %mul3A_121 = arith.constant 640 : i32
    %mul3A_122 = arith.muli %arg1, %mul3A_121 : i32
    "tpu.region"() ({
      %run_scoped3A_123 = tpu.sem_alloc : memref<!tpu.dma_semaphore, #tpu.memory_space<semaphore_mem>>
      %dma_start3A_124 = arith.constant 0 : i32
      %dma_start3A_125 = tpu.memref_slice %arg4[%arg0, %mul3A_122, %dma_start3A_124] : memref<2x10240x128xf32, #tpu.memory_space<hbm>> -> memref<1x640x128xf32, #tpu.memory_space<hbm>>
      %dma_start3A_126 = tpu.memref_squeeze %dma_start3A_125 : memref<1x640x128xf32, #tpu.memory_space<hbm>> -> memref<640x128xf32, #tpu.memory_space<hbm>>
      %dma_start3A_127 = arith.constant 0 : i32
      %dma_start3A_128 = tpu.memref_slice %arg13[%mul3A_120, %dma_start3A_127] : memref<10240x128xf32, #tpu.memory_space<vmem_shared>> -> memref<640x128xf32, #tpu.memory_space<vmem_shared>>
      tpu.enqueue_dma source(%dma_start3A_128 : memref<640x128xf32, #tpu.memory_space<vmem_shared>>) target(%dma_start3A_126 : memref<640x128xf32, #tpu.memory_space<hbm>>) target_semaphore(%run_scoped3A_123 : memref<!tpu.dma_semaphore, #tpu.memory_space<semaphore_mem>>)
      %dma_wait3A_129 = arith.constant 0 : i32
      %dma_wait3A_130 = tpu.memref_slice %arg4[%arg0, %mul3A_122, %dma_wait3A_129] : memref<2x10240x128xf32, #tpu.memory_space<hbm>> -> memref<1x640x128xf32, #tpu.memory_space<hbm>>
      %dma_wait3A_131 = tpu.memref_squeeze %dma_wait3A_130 : memref<1x640x128xf32, #tpu.memory_space<hbm>> -> memref<640x128xf32, #tpu.memory_space<hbm>>
      %dma_wait3A_132 = arith.constant 0 : i32
      %dma_wait3A_133 = tpu.memref_slice %arg13[%mul3A_120, %dma_wait3A_132] : memref<10240x128xf32, #tpu.memory_space<vmem_shared>> -> memref<640x128xf32, #tpu.memory_space<vmem_shared>>
      tpu.wait_dma2 semaphore(%run_scoped3A_123 : memref<!tpu.dma_semaphore, #tpu.memory_space<semaphore_mem>>) src(%dma_wait3A_133 : memref<640x128xf32, #tpu.memory_space<vmem_shared>>) dst(%dma_wait3A_131 : memref<640x128xf32, #tpu.memory_space<hbm>>)
      tpu.yield
    }) : () -> ()
    return
  }
}

module attributes {stable_mosaic.version = 14 : i64} {
  func.func @_mm_scale_body(%arg0: i32, %arg1: memref<1280x128xf32, #tpu.memory_space<vmem>>, %arg2: memref<128x128xf32, #tpu.memory_space<vmem>>, %arg3: memref<32x1280xf32, #tpu.memory_space<vmem>>, %arg4: memref<1280x128xf32, #tpu.memory_space<vmem>>) attributes {dimension_semantics = [#tpu.dimension_semantics<arbitrary>], iteration_bounds = array<i64: 8>, scalar_prefetch = 0 : i64, scratch_operands = 0 : i64, tpu.core_type = #tpu.core_type<tc>, window_params = [{transform_indices = @transform_0, window_bounds = array<i64: 1280, 128>}, {pipeline_mode = #tpu.pipeline_mode<synchronous>, transform_indices = @transform_1, window_bounds = array<i64: 128, 128>}, {transform_indices = @transform_2, window_bounds = array<i64: 32, 1280>}, {transform_indices = @transform_3, window_bounds = array<i64: 1280, 128>}]} {
    %get3A = arith.constant 0 : index
    %get3A_0 = arith.constant 0 : index
    %get3A_1 = vector.load %arg3[%get3A, %get3A_0] : memref<32x1280xf32, #tpu.memory_space<vmem>>, vector<32x1280xf32>
    %reduce_sum3A = arith.constant dense<0.000000e+00> : vector<1280xf32>
    %reduce_sum3A_2 = vector.multi_reduction <add>, %get3A_1, %reduce_sum3A [0] : vector<32x1280xf32> to vector<1280xf32>
    %add3A = arith.constant 1.000000e+00 : f32
    %add3A_3 = vector.broadcast %add3A : f32 to vector<1280xf32>
    %add3A_4 = arith.addf %reduce_sum3A_2, %add3A_3 : vector<1280xf32>
    %rsqrt3A = math.rsqrt %add3A_4 : vector<1280xf32>
    %get3A_5 = arith.constant 0 : index
    %get3A_6 = arith.constant 0 : index
    %get3A_7 = vector.load %arg1[%get3A_5, %get3A_6] : memref<1280x128xf32, #tpu.memory_space<vmem>>, vector<1280x128xf32>
    %get3A_8 = arith.constant 0 : index
    %get3A_9 = arith.constant 0 : index
    %get3A_10 = vector.load %arg2[%get3A_8, %get3A_9] : memref<128x128xf32, #tpu.memory_space<vmem>>, vector<128x128xf32>
    %dot_general3A = arith.constant dense<0.000000e+00> : vector<1280x128xf32>
    %dot_general3A_11 = tpu.matmul %get3A_7, %get3A_10, %dot_general3A {dimension_numbers = #tpu.dot_dimension_numbers<[1], [0], [0], [1], [0, 0, 1, 1], [], []>, transpose_lhs_hint = false} : vector<1280x128xf32>, vector<128x128xf32>, vector<1280x128xf32> -> vector<1280x128xf32>
    %broadcast_in_dim3A = vector.shape_cast %rsqrt3A : vector<1280xf32> to vector<1280x1xf32>
    %mul3A = vector.broadcast %broadcast_in_dim3A : vector<1280x1xf32> to vector<1280x128xf32>
    %mul3A_12 = arith.mulf %dot_general3A_11, %mul3A : vector<1280x128xf32>
    %swap3A = arith.constant 0 : index
    %swap3A_13 = arith.constant 0 : index
    %swap3A_14 = vector.load %arg4[%swap3A, %swap3A_13] : memref<1280x128xf32, #tpu.memory_space<vmem>>, vector<1280x128xf32>
    tpu.vector_store %arg4[%swap3A, %swap3A_13], %mul3A_12 {strides = array<i32>} : memref<1280x128xf32, #tpu.memory_space<vmem>>, vector<1280x128xf32>,
    return
  }
  func.func @transform_0(%arg0: i32) -> (i32, i32) {
    %c0_i32 = arith.constant 0 : i32
    %c0_i32_0 = arith.constant 0 : i32
    return %arg0, %c0_i32 : i32, i32
  }
  func.func @transform_1(%arg0: i32) -> (i32, i32) {
    %c0_i32 = arith.constant 0 : i32
    %c0_i32_0 = arith.constant 0 : i32
    %c0_i32_1 = arith.constant 0 : i32
    return %c0_i32, %c0_i32_0 : i32, i32
  }
  func.func @transform_2(%arg0: i32) -> (i32, i32) {
    %c0_i32 = arith.constant 0 : i32
    %c0_i32_0 = arith.constant 0 : i32
    return %c0_i32, %arg0 : i32, i32
  }
  func.func @transform_3(%arg0: i32) -> (i32, i32) {
    %c0_i32 = arith.constant 0 : i32
    %c0_i32_0 = arith.constant 0 : i32
    return %arg0, %c0_i32 : i32, i32
  }
}

module attributes {stable_mosaic.version = 14 : i64} {
  func.func @_combine_mm_body(%arg0: i32, %arg1: memref<2x1280x128xf32, #tpu.memory_space<vmem>>, %arg2: memref<1280x128xf32, #tpu.memory_space<vmem>>, %arg3: memref<32x1280xf32, #tpu.memory_space<vmem>>, %arg4: memref<1x128xf32, #tpu.memory_space<vmem>>, %arg5: memref<128x128xf32, #tpu.memory_space<vmem>>, %arg6: memref<1280x128xf32, #tpu.memory_space<vmem>>) attributes {dimension_semantics = [#tpu.dimension_semantics<arbitrary>], iteration_bounds = array<i64: 8>, scalar_prefetch = 0 : i64, scratch_operands = 0 : i64, tpu.core_type = #tpu.core_type<tc>, window_params = [{transform_indices = @transform_0, window_bounds = array<i64: 2, 1280, 128>}, {transform_indices = @transform_1, window_bounds = array<i64: 1280, 128>}, {transform_indices = @transform_2, window_bounds = array<i64: 32, 1280>}, {pipeline_mode = #tpu.pipeline_mode<synchronous>, transform_indices = @transform_3, window_bounds = array<i64: 1, 128>}, {pipeline_mode = #tpu.pipeline_mode<synchronous>, transform_indices = @transform_4, window_bounds = array<i64: 128, 128>}, {transform_indices = @transform_5, window_bounds = array<i64: 1280, 128>}]} {
    %get3A = arith.constant 0 : index
    %get3A_0 = arith.constant 0 : index
    %get3A_1 = vector.load %arg3[%get3A, %get3A_0] : memref<32x1280xf32, #tpu.memory_space<vmem>>, vector<32x1280xf32>
    %reduce_sum3A = arith.constant dense<0.000000e+00> : vector<1280xf32>
    %reduce_sum3A_2 = vector.multi_reduction <add>, %get3A_1, %reduce_sum3A [0] : vector<32x1280xf32> to vector<1280xf32>
    %add3A = arith.constant 1.000000e+00 : f32
    %add3A_3 = vector.broadcast %add3A : f32 to vector<1280xf32>
    %add3A_4 = arith.addf %reduce_sum3A_2, %add3A_3 : vector<1280xf32>
    %rsqrt3A = math.rsqrt %add3A_4 : vector<1280xf32>
    %get3A_5 = arith.constant 0 : index
    %get3A_6 = arith.constant 0 : index
    %get3A_7 = arith.constant 0 : index
    %get3A_8 = vector.load %arg1[%get3A_5, %get3A_6, %get3A_7] : memref<2x1280x128xf32, #tpu.memory_space<vmem>>, vector<1x1280x128xf32>
    %get3A_9 = vector.shape_cast %get3A_8 : vector<1x1280x128xf32> to vector<1280x128xf32>
    %get3A_10 = arith.constant 1 : index
    %get3A_11 = arith.constant 0 : index
    %get3A_12 = arith.constant 0 : index
    %get3A_13 = vector.load %arg1[%get3A_10, %get3A_11, %get3A_12] : memref<2x1280x128xf32, #tpu.memory_space<vmem>>, vector<1x1280x128xf32>
    %get3A_14 = vector.shape_cast %get3A_13 : vector<1x1280x128xf32> to vector<1280x128xf32>
    %add3A_15 = arith.addf %get3A_9, %get3A_14 : vector<1280x128xf32>
    %get3A_16 = arith.constant 0 : index
    %get3A_17 = arith.constant 0 : index
    %get3A_18 = vector.load %arg2[%get3A_16, %get3A_17] : memref<1280x128xf32, #tpu.memory_space<vmem>>, vector<1280x128xf32>
    %add3A_19 = arith.addf %add3A_15, %get3A_18 : vector<1280x128xf32>
    %broadcast_in_dim3A = vector.shape_cast %rsqrt3A : vector<1280xf32> to vector<1280x1xf32>
    %mul3A = vector.broadcast %broadcast_in_dim3A : vector<1280x1xf32> to vector<1280x128xf32>
    %mul3A_20 = arith.mulf %add3A_19, %mul3A : vector<1280x128xf32>
    %get3A_21 = arith.constant 0 : index
    %get3A_22 = arith.constant 0 : index
    %get3A_23 = vector.load %arg4[%get3A_21, %get3A_22] : memref<1x128xf32, #tpu.memory_space<vmem>>, vector<1x128xf32>
    %add3A_24 = vector.broadcast %get3A_23 : vector<1x128xf32> to vector<1280x128xf32>
    %add3A_25 = arith.addf %mul3A_20, %add3A_24 : vector<1280x128xf32>
    %max3A = arith.constant 0.000000e+00 : f32
    %max3A_26 = vector.broadcast %max3A : f32 to vector<1280x128xf32>
    %max3A_27 = arith.maximumf %add3A_25, %max3A_26 : vector<1280x128xf32>
    %get3A_28 = arith.constant 0 : index
    %get3A_29 = arith.constant 0 : index
    %get3A_30 = vector.load %arg5[%get3A_28, %get3A_29] : memref<128x128xf32, #tpu.memory_space<vmem>>, vector<128x128xf32>
    %dot_general3A = arith.constant dense<0.000000e+00> : vector<1280x128xf32>
    %dot_general3A_31 = tpu.matmul %max3A_27, %get3A_30, %dot_general3A {dimension_numbers = #tpu.dot_dimension_numbers<[1], [0], [0], [1], [0, 0, 1, 1], [], []>, transpose_lhs_hint = false} : vector<1280x128xf32>, vector<128x128xf32>, vector<1280x128xf32> -> vector<1280x128xf32>
    %broadcast_in_dim3A_32 = vector.shape_cast %rsqrt3A : vector<1280xf32> to vector<1280x1xf32>
    %mul3A_33 = vector.broadcast %broadcast_in_dim3A_32 : vector<1280x1xf32> to vector<1280x128xf32>
    %mul3A_34 = arith.mulf %dot_general3A_31, %mul3A_33 : vector<1280x128xf32>
    %swap3A = arith.constant 0 : index
    %swap3A_35 = arith.constant 0 : index
    %swap3A_36 = vector.load %arg6[%swap3A, %swap3A_35] : memref<1280x128xf32, #tpu.memory_space<vmem>>, vector<1280x128xf32>
    tpu.vector_store %arg6[%swap3A, %swap3A_35], %mul3A_34 {strides = array<i32>} : memref<1280x128xf32, #tpu.memory_space<vmem>>, vector<1280x128xf32>,
    return
  }
  func.func @transform_0(%arg0: i32) -> (i32, i32, i32) {
    %c0_i32 = arith.constant 0 : i32
    %c0_i32_0 = arith.constant 0 : i32
    %c0_i32_1 = arith.constant 0 : i32
    return %c0_i32, %arg0, %c0_i32_0 : i32, i32, i32
  }
  func.func @transform_1(%arg0: i32) -> (i32, i32) {
    %c0_i32 = arith.constant 0 : i32
    %c0_i32_0 = arith.constant 0 : i32
    return %arg0, %c0_i32 : i32, i32
  }
  func.func @transform_2(%arg0: i32) -> (i32, i32) {
    %c0_i32 = arith.constant 0 : i32
    %c0_i32_0 = arith.constant 0 : i32
    return %c0_i32, %arg0 : i32, i32
  }
  func.func @transform_3(%arg0: i32) -> (i32, i32) {
    %c0_i32 = arith.constant 0 : i32
    %c0_i32_0 = arith.constant 0 : i32
    %c0_i32_1 = arith.constant 0 : i32
    return %c0_i32, %c0_i32_0 : i32, i32
  }
  func.func @transform_4(%arg0: i32) -> (i32, i32) {
    %c0_i32 = arith.constant 0 : i32
    %c0_i32_0 = arith.constant 0 : i32
    %c0_i32_1 = arith.constant 0 : i32
    return %c0_i32, %c0_i32_0 : i32, i32
  }
  func.func @transform_5(%arg0: i32) -> (i32, i32) {
    %c0_i32 = arith.constant 0 : i32
    %c0_i32_0 = arith.constant 0 : i32
    return %arg0, %c0_i32 : i32, i32
  }
}

module attributes {stable_mosaic.version = 14 : i64} {
  func.func @_head_body(%arg0: i32, %arg1: memref<2x1280x128xf32, #tpu.memory_space<vmem>>, %arg2: memref<1280x128xf32, #tpu.memory_space<vmem>>, %arg3: memref<32x1280xf32, #tpu.memory_space<vmem>>, %arg4: memref<1x128xf32, #tpu.memory_space<vmem>>, %arg5: memref<128x64xf32, #tpu.memory_space<vmem>>, %arg6: memref<1x64xf32, #tpu.memory_space<vmem>>, %arg7: memref<1280x64xf32, #tpu.memory_space<vmem>>) attributes {dimension_semantics = [#tpu.dimension_semantics<arbitrary>], iteration_bounds = array<i64: 8>, scalar_prefetch = 0 : i64, scratch_operands = 0 : i64, tpu.core_type = #tpu.core_type<tc>, window_params = [{transform_indices = @transform_0, window_bounds = array<i64: 2, 1280, 128>}, {transform_indices = @transform_1, window_bounds = array<i64: 1280, 128>}, {transform_indices = @transform_2, window_bounds = array<i64: 32, 1280>}, {pipeline_mode = #tpu.pipeline_mode<synchronous>, transform_indices = @transform_3, window_bounds = array<i64: 1, 128>}, {pipeline_mode = #tpu.pipeline_mode<synchronous>, transform_indices = @transform_4, window_bounds = array<i64: 128, 64>}, {pipeline_mode = #tpu.pipeline_mode<synchronous>, transform_indices = @transform_5, window_bounds = array<i64: 1, 64>}, {transform_indices = @transform_6, window_bounds = array<i64: 1280, 64>}]} {
    %get3A = arith.constant 0 : index
    %get3A_0 = arith.constant 0 : index
    %get3A_1 = vector.load %arg3[%get3A, %get3A_0] : memref<32x1280xf32, #tpu.memory_space<vmem>>, vector<32x1280xf32>
    %reduce_sum3A = arith.constant dense<0.000000e+00> : vector<1280xf32>
    %reduce_sum3A_2 = vector.multi_reduction <add>, %get3A_1, %reduce_sum3A [0] : vector<32x1280xf32> to vector<1280xf32>
    %add3A = arith.constant 1.000000e+00 : f32
    %add3A_3 = vector.broadcast %add3A : f32 to vector<1280xf32>
    %add3A_4 = arith.addf %reduce_sum3A_2, %add3A_3 : vector<1280xf32>
    %rsqrt3A = math.rsqrt %add3A_4 : vector<1280xf32>
    %get3A_5 = arith.constant 0 : index
    %get3A_6 = arith.constant 0 : index
    %get3A_7 = arith.constant 0 : index
    %get3A_8 = vector.load %arg1[%get3A_5, %get3A_6, %get3A_7] : memref<2x1280x128xf32, #tpu.memory_space<vmem>>, vector<1x1280x128xf32>
    %get3A_9 = vector.shape_cast %get3A_8 : vector<1x1280x128xf32> to vector<1280x128xf32>
    %get3A_10 = arith.constant 1 : index
    %get3A_11 = arith.constant 0 : index
    %get3A_12 = arith.constant 0 : index
    %get3A_13 = vector.load %arg1[%get3A_10, %get3A_11, %get3A_12] : memref<2x1280x128xf32, #tpu.memory_space<vmem>>, vector<1x1280x128xf32>
    %get3A_14 = vector.shape_cast %get3A_13 : vector<1x1280x128xf32> to vector<1280x128xf32>
    %add3A_15 = arith.addf %get3A_9, %get3A_14 : vector<1280x128xf32>
    %get3A_16 = arith.constant 0 : index
    %get3A_17 = arith.constant 0 : index
    %get3A_18 = vector.load %arg2[%get3A_16, %get3A_17] : memref<1280x128xf32, #tpu.memory_space<vmem>>, vector<1280x128xf32>
    %add3A_19 = arith.addf %add3A_15, %get3A_18 : vector<1280x128xf32>
    %broadcast_in_dim3A = vector.shape_cast %rsqrt3A : vector<1280xf32> to vector<1280x1xf32>
    %mul3A = vector.broadcast %broadcast_in_dim3A : vector<1280x1xf32> to vector<1280x128xf32>
    %mul3A_20 = arith.mulf %add3A_19, %mul3A : vector<1280x128xf32>
    %get3A_21 = arith.constant 0 : index
    %get3A_22 = arith.constant 0 : index
    %get3A_23 = vector.load %arg4[%get3A_21, %get3A_22] : memref<1x128xf32, #tpu.memory_space<vmem>>, vector<1x128xf32>
    %add3A_24 = vector.broadcast %get3A_23 : vector<1x128xf32> to vector<1280x128xf32>
    %add3A_25 = arith.addf %mul3A_20, %add3A_24 : vector<1280x128xf32>
    %max3A = arith.constant 0.000000e+00 : f32
    %max3A_26 = vector.broadcast %max3A : f32 to vector<1280x128xf32>
    %max3A_27 = arith.maximumf %add3A_25, %max3A_26 : vector<1280x128xf32>
    %get3A_28 = arith.constant 0 : index
    %get3A_29 = arith.constant 0 : index
    %get3A_30 = vector.load %arg5[%get3A_28, %get3A_29] : memref<128x64xf32, #tpu.memory_space<vmem>>, vector<128x64xf32>
    %dot_general3A = arith.constant dense<0.000000e+00> : vector<1280x64xf32>
    %dot_general3A_31 = tpu.matmul %max3A_27, %get3A_30, %dot_general3A {dimension_numbers = #tpu.dot_dimension_numbers<[1], [0], [0], [1], [0, 0, 1, 1], [], []>, transpose_lhs_hint = false} : vector<1280x128xf32>, vector<128x64xf32>, vector<1280x64xf32> -> vector<1280x64xf32>
    %get3A_32 = arith.constant 0 : index
    %get3A_33 = arith.constant 0 : index
    %get3A_34 = vector.load %arg6[%get3A_32, %get3A_33] : memref<1x64xf32, #tpu.memory_space<vmem>>, vector<1x64xf32>
    %add3A_35 = vector.broadcast %get3A_34 : vector<1x64xf32> to vector<1280x64xf32>
    %add3A_36 = arith.addf %dot_general3A_31, %add3A_35 : vector<1280x64xf32>
    %swap3A = arith.constant 0 : index
    %swap3A_37 = arith.constant 0 : index
    %swap3A_38 = vector.load %arg7[%swap3A, %swap3A_37] : memref<1280x64xf32, #tpu.memory_space<vmem>>, vector<1280x64xf32>
    tpu.vector_store %arg7[%swap3A, %swap3A_37], %add3A_36 {strides = array<i32>} : memref<1280x64xf32, #tpu.memory_space<vmem>>, vector<1280x64xf32>,
    return
  }
  func.func @transform_0(%arg0: i32) -> (i32, i32, i32) {
    %c0_i32 = arith.constant 0 : i32
    %c0_i32_0 = arith.constant 0 : i32
    %c0_i32_1 = arith.constant 0 : i32
    return %c0_i32, %arg0, %c0_i32_0 : i32, i32, i32
  }
  func.func @transform_1(%arg0: i32) -> (i32, i32) {
    %c0_i32 = arith.constant 0 : i32
    %c0_i32_0 = arith.constant 0 : i32
    return %arg0, %c0_i32 : i32, i32
  }
  func.func @transform_2(%arg0: i32) -> (i32, i32) {
    %c0_i32 = arith.constant 0 : i32
    %c0_i32_0 = arith.constant 0 : i32
    return %c0_i32, %arg0 : i32, i32
  }
  func.func @transform_3(%arg0: i32) -> (i32, i32) {
    %c0_i32 = arith.constant 0 : i32
    %c0_i32_0 = arith.constant 0 : i32
    %c0_i32_1 = arith.constant 0 : i32
    return %c0_i32, %c0_i32_0 : i32, i32
  }
  func.func @transform_4(%arg0: i32) -> (i32, i32) {
    %c0_i32 = arith.constant 0 : i32
    %c0_i32_0 = arith.constant 0 : i32
    %c0_i32_1 = arith.constant 0 : i32
    return %c0_i32, %c0_i32_0 : i32, i32
  }
  func.func @transform_5(%arg0: i32) -> (i32, i32) {
    %c0_i32 = arith.constant 0 : i32
    %c0_i32_0 = arith.constant 0 : i32
    %c0_i32_1 = arith.constant 0 : i32
    return %c0_i32, %c0_i32_0 : i32, i32
  }
  func.func @transform_6(%arg0: i32) -> (i32, i32) {
    %c0_i32 = arith.constant 0 : i32
    %c0_i32_0 = arith.constant 0 : i32
    return %arg0, %c0_i32 : i32, i32
  }
}

</mosaic_0001>

<sc_bundles>
// kernel: kernel.11.cloned.1.call-start
scs
__scs_entry_jumppad:
0x0: {  	(pc) =	sbr.rel $0x88, $3  }
0x1: {  	(tag) =	ssettag $0x0;
	lr =	simm.s32 $0x1  }
0x2: {  	[smem:$0x3F99] =	sst lr;
	_ =	strace $0xD0000000  }
0x3: {  	_ = 	snop  }
0x4: {  	_ = 	snop  }
0x5: {  	_ = 	snop  }
0x6: {  	_ = 	snop  }
0x7: {  	_ = 	snop  }
__scs_overlays_trampoline_lowered:
0x8: {  	[smem:$0x3FA8] =	sst s0  }
0x9: {  	[smem:$0x3FA9] =	sst s1  }
0xa: {  	[smem:$0x3FAA] =	sst s2  }
0xb: {  	[smem:$0x3FAB] =	sst s3  }
0xc: {  	[smem:$0x3FAC] =	sst s4  }
0xd: {  	[smem:$0x3FAD] =	sst s5  }
0xe: {  	[smem:$0x3FAE] =	sst s6  }
0xf: {  	[smem:$0x3FAF] =	sst s7  }
0x10: {  	[smem:$0x3FB0] =	sst s8  }
0x11: {  	[smem:$0x3FB1] =	sst s9;
	s0 =	simm.s32 @!p0 $0x0  }
0x12: {  	s1 =	sld [smem:$0x3F97];
	s0 =	simm.s32 @p0 $0x1  }
0x13: {  	[smem:$0x3FB2] =	sst s0;
	s0 =	simm.s32 @!p1 $0x0  }
0x14: {  	s2 =	sld [smem:$0x3F96];
	s0 =	simm.s32 @p1 $0x1  }
0x15: {  	[smem:$0x3FB3] =	sst s0;
	s0 =	simm.s32 @!p2 $0x0  }
0x16: {  	s3 =	sld [smem:$0x3FDB];
	s0 =	simm.s32 @p2 $0x1  }
0x17: {  	s4 =	simm.s32 $0x1BF5;
	[smem:$0x3FB5] =	sst s0  }
0x18: {  	s0 =	sld [smem:$0x3F98];
	_ =	swait.ge [sflag:s4], $0x0  }
0x19: {  	s7 =	sld [smem:$0x3F99]  }
0x1a: {  	s8 =	sadd.s32 $0xFFFFE003, lr  }
0x1b: {  	s9 =	sadd.s32 $0xFFFFFEF7, lr;
	s5 =	simm.s32 $0xFFFFFFFF;
	p2 =	slt.u32 s8, $0xFFFFF086  }
0x1c: {  	p1 =	slt.u32 s9, $0xF7A;
	s5 =	simm.s32 @!p2 $0x0  }
0x1d: {  	s5 =	simm.s32 @p1 $0x1;
	p0 =	seq.s32 s7, s2  }
0x1e: {  	s7 =	smul.u32 @!p0 $0xF7A, s2;
	p2 =	seq.s32 @!p0 s5, $0x0  }
0x1f: {  	s9 =	smul.u32 $0xF7A, s1;
	s8 =	simm.s32 @!p0 $0x1BF5;
	p2 =	por !p2, p0  }
0x20: {  	[sflag:s8] =	ssyncset.s32 @!p0 $0xFFFFF086;
	s6 =	sadd.s32 @!p0 s3, s7;
	s7 =	simm.s32 @!p0 $0x108  }
0x21: {  	s3 =	sadd.s32 s3, s9;
	s6 =	sadd.s32 @!p0 $0x88, s6;
	s7 =	simm.s32 @p2 $0x1082  }
0x22: {  	[simem:s7], [sflag:s8] =	dma.local @!p0 [hbm:s6], $0xF7A  }
0x23: {  	s9 =	sor.u32 $0xD0000000, s2;
	s6 =	simm.s32 $0x108;
	_ =	swait.ge @!p0 [sflag:s8], $0x0  }
0x24: {  	s3 =	sadd.s32 $0x88, s3;
	s6 =	simm.s32 @!p1 $0x1082;
	[sflag:s4] =	ssyncset.s32 $0xFFFFF086  }
0x25: {  	[simem:s6], [sflag:s4] =	dma.local [hbm:s3], $0xF7A  }
0x26: {  	[smem:$0x3F99] =	sst s1;
	(tag) =	ssettag s2;
	_ =	strace s9  }
0x27: {  	s1 =	sld [smem:$0x3FA9]  }
0x28: {  	s2 =	sld [smem:$0x3FAA]  }
0x29: {  	s4 =	sld [smem:$0x3FAC]  }
0x2a: {  	p0 =	seq.s32 s5, $0x0;
	s5 =	sld [smem:$0x3FAD]  }
0x2b: {  	s6 =	sld [smem:$0x3FAE]  }
0x2c: {  	s7 =	sld [smem:$0x3FAF]  }
0x2d: {  	s3 =	simm.s32 $0x108;
	s8 =	sld [smem:$0x3FB0]  }
0x2e: {  	s3 =	simm.s32 @!p0 $0x1082;
	s9 =	sld [smem:$0x3FB1]  }
0x2f: {  	lr =	sadd.s32 s0, s3;
	s0 =	sld [smem:$0x3FA8]  }
0x30: {  	s3 =	sld [smem:$0x3FAB]  }
0x31: {  	[smem:$0x3FB4] =	sst s10  }
0x32: {  	s10 =	sld [smem:$0x3FB2];
	_ =	sdelay $0x3  }
0x33: {  	p0 =	seq.s32 s10, $0x1;
	s10 =	sld [smem:$0x3FB4];
	_ =	sdelay $0x3  }
0x34: {  	[smem:$0x3FB4] =	sst s10  }
0x35: {  	s10 =	sld [smem:$0x3FB3];
	_ =	sdelay $0x3  }
0x36: {  	p1 =	seq.s32 s10, $0x1;
	s10 =	sld [smem:$0x3FB4];
	_ =	sdelay $0x3  }
0x37: {  	[smem:$0x3FB4] =	sst s10  }
0x38: {  	s10 =	sld [smem:$0x3FB5]  }
0x39: {  	_ = 	snop;
	(pc) =	sbr.ind lr, $3  }
0x3a: {  	_ = 	snop  }
0x3b: {  	_ = 	snop  }
0x3c: {  	p2 =	seq.s32 s10, $0x1;
	s10 =	sld [smem:$0x3FB4]  }
0x3d: {  	_ =	shalt  }
0x3e: {  	_ =	shalt  }
0x3f: {  	_ =	shalt  }
0x40: {  	_ =	shalt  }
0x41: {  	_ =	shalt  }
0x42: {  	_ =	shalt  }
0x43: {  	_ =	shalt  }
0x44: {  	_ =	shalt  }
0x45: {  	_ =	shalt  }
0x46: {  	_ =	shalt  }
0x47: {  	_ =	shalt  }
0x48: {  	_ =	shalt  }
0x49: {  	_ =	shalt  }
0x4a: {  	_ =	shalt  }
0x4b: {  	_ =	shalt  }
0x4c: {  	_ =	shalt  }
0x4d: {  	_ =	shalt  }
0x4e: {  	_ =	shalt  }
0x4f: {  	_ =	shalt  }
0x50: {  	_ =	shalt  }
0x51: {  	_ =	shalt  }
0x52: {  	_ =	shalt  }
0x53: {  	_ =	shalt  }
0x54: {  	_ =	shalt  }
0x55: {  	_ =	shalt  }
0x56: {  	_ =	shalt  }
0x57: {  	_ =	shalt  }
0x58: {  	_ =	shalt  }
0x59: {  	_ =	shalt  }
0x5a: {  	_ =	shalt  }
0x5b: {  	_ =	shalt  }
0x5c: {  	_ =	shalt  }
0x5d: {  	_ =	shalt  }
0x5e: {  	_ =	shalt  }
0x5f: {  	_ =	shalt  }
0x60: {  	_ =	shalt  }
0x61: {  	_ =	shalt  }
0x62: {  	_ =	shalt  }
0x63: {  	_ =	shalt  }
0x64: {  	_ =	shalt  }
0x65: {  	_ =	shalt  }
0x66: {  	_ =	shalt  }
0x67: {  	_ =	shalt  }
0x68: {  	_ =	shalt  }
0x69: {  	_ =	shalt  }
0x6a: {  	_ =	shalt  }
0x6b: {  	_ =	shalt  }
0x6c: {  	_ =	shalt  }
0x6d: {  	_ =	shalt  }
0x6e: {  	_ =	shalt  }
0x6f: {  	_ =	shalt  }
0x70: {  	_ =	shalt  }
0x71: {  	_ =	shalt  }
0x72: {  	_ =	shalt  }
0x73: {  	_ =	shalt  }
0x74: {  	_ =	shalt  }
0x75: {  	_ =	shalt  }
0x76: {  	_ =	shalt  }
0x77: {  	_ =	shalt  }
0x78: {  	_ =	shalt  }
0x79: {  	_ =	shalt  }
0x7a: {  	_ =	shalt  }
0x7b: {  	_ =	shalt  }
0x7c: {  	_ =	shalt  }
0x7d: {  	_ =	shalt  }
0x7e: {  	_ =	shalt  }
0x7f: {  	_ =	shalt  }
0x80: {  	_ =	shalt  }
0x81: {  	_ =	shalt  }
0x82: {  	_ =	shalt  }
0x83: {  	_ =	shalt  }
0x84: {  	_ =	shalt  }
0x85: {  	_ =	shalt  }
0x86: {  	_ =	shalt  }
0x87: {  	_ =	shalt  }
.Lfunc_end0:
.L_simem_size_0:
called_computation.1_lowered:
.L_overlay_start_0:
0x88: {  	s2 =	sld [smem:$0x3FD9]  }
0x89: {  	s3 =	sld [smem:$0x3FFE];
	_ =	sdelay $0x1  }
0x8a: {  	s1 =	srdreg.scid  }
0x8b: {  	s0 =	sand.u32 $0x1, s1  }
0x8c: {  	s16 =	sshll.u32 s0, $0xA;
	s2 =	sadd.s32 s3, s2  }
0x8d: {  	s2 =	sadd.s32 s2, s16  }
0x8e: {  	[smem:$0x3FC0] =	sst s2  }
0x8f: {  	_ = 	snop  }
0x90: {  	(tm) =	ssettm $0x1  }
0x91: {  	s17 =	sld [smem:$0x3FFB];
	_ =	sdelay $0x3  }
0x92: {  	_ =	strace s17  }
0x93: {  	s2 =	sld [smem:$0x3FFC];
	_ =	sdelay $0x3  }
0x94: {  	_ =	strace s2  }
0x95: {  	s2 =	sld [smem:$0x3FFD];
	_ =	sdelay $0x3  }
0x96: {  	_ =	strace s2  }
0x97: {  	_ =	strace $0x8FFFFFFF  }
0x98: {  	s18 =	sld [smem:$0x3FDB];
	_ =	sdelay $0x1  }
0x99: {  	s19 =	simm.s32 $_scs_section_size  }
0x9a: {  	s4 =	simm.s32 $_size__tile_overlayer_lowered;
	s5 =	simm.s32 $_tile_overlayer_lowered  }
0x9b: {  	s22 =	simm.s32 $0x1BFF;
	s21 =	sshll.u32 s5, $0x1;
	s2 =	sadd.s32 s19, s18  }
0x9c: {  	s6 =	simm.s32 $0x0;
	s20 =	sshll.u32 s4, $0x1;
	s4 =	sadd.s32 s21, s2  }
0x9d: {  	[timem:s6], [sflag:s22] =	dma.local [hbm:s4], s20  }
0x9e: {  	_ =	swait.ge [sflag:s22], s20  }
0x9f: {  	s3 =	ssub.s32 $0x0, s20;
	[sflag:s22] =	ssyncset.done $0x0  }
0xa0: {  	[sflag:s22] =	ssyncadd.s32 s3;
	_ =	sdelay $0x1  }
0xa1: {  	s23 =	simm.s32 $0x1B8B  }
0xa2: {  	_ =	swait.ge [sflag:s23], $0x1  }
0xa3: {  	[sflag:s23] =	ssyncset.done $0x0  }
0xa4: {  	s25 =	simm.s32 $0x1B8E;
	s24 =	sld [smem:$0x3FFE];
	[sflag:s23] =	ssyncadd.s32 $0xFFFFFFFF  }
0xa5: {  	s26 =	simm.s32 $execute0_lowered;
	[smem:$0x3FD2] =	sst s25  }
0xa6: {  	s4 =	sshll.u32 s26, $0x1;
	_ =	strace $0x80000049;
	[dreg:$0x1] =	wrdreg $0xFFFFFFFF  }
0xa7: {  	s28 =	simm.s32 $_size_execute0_lowered;
	s2 =	sadd.s32 s2, s4;
	[dreg:$0x0] =	wrdreg $0x0  }
0xa8: {  	s4 =	sshll.u32 s28, $0x1;
	[dreg:$0x2] =	wrdreg s2  }
0xa9: {  	[dreg:$0x3] =	wrdreg s4  }
0xaa: {  	[dreg:$0x4] =	wrdreg $0xC0  }
0xab: {  	_ =	task [dreg:s6], $0x5FFFF  }
0xac: {  	[dreg:$0x1] =	wrdreg $0xFFFFFFFF  }
0xad: {  	[dreg:$0x0] =	wrdreg $0x60  }
0xae: {  	[dreg:$0x2] =	wrdreg s24  }
0xaf: {  	[dreg:$0x3] =	wrdreg $0x82000  }
0xb0: {  	[dreg:$0x4] =	wrdreg $0x9  }
0xb1: {  	_ =	task.clear_ibuf [dreg:s6], $0x5FFFF;
	_ =	strace $0x90000049  }
0xb2: {  	s29 =	simm.s32 $0x9;
	_ =	strace $0x8000004B  }
0xb3: {  	_ =	swait.ge [sflag:s29], $0x1  }
0xb4: {  	[sflag:s29] =	ssyncadd.s32 $0xFFFFFFFF  }
0xb5: {  	_ =	strace $0x9000004B  }
0xb6: {  	_ =	sfence  }
0xb7: {  	s30 =	sld [smem:$0x0];
	_ =	sdelay $0x2  }
0xb8: {  	s31 =	sshll.u32 s1, $0xD;
	s1 =	sshrl.u32 s1, $0x2  }
0xb9: {  	s3 =	sand.u32 $0x4000, s31;
	s1 =	sadd.s32 s1, s30  }
0xba: {  	s0 =	sor.u32 s3, s0;
	s1 =	sshll.u32 s1, $0x11  }
0xbb: {  	s0 =	sor.u32 s1, s0  }
0xbc: {  	s0 =	sadd.s32 $0x8F2B, s0  }
0xbd: {  	[sflag:s0] =	ssyncadd.remote.s32 $0x1  }
0xbe: {  	_ =	sfence.sel $0xFFFF  }
0xbf: {  	[dreg:$0x0] =	wrdreg $0xFFFFFFFF;
	(pc) =	sbr.abs _section_cstart, $3  }
0xc0: {  	[dreg:$0x1] =	wrdreg $0xFFFFFFFF  }
0xc1: {  	_ =	task.clear_ibuf [dreg:s6], $0x2FFFF;
	_ =	strace $0x9FFFFFFF  }
0xc2: {  	(tm) =	ssettm $0x7FFFFFFF  }
0xc3: {  	_ =	shalt  }
tec
execute0_lowered:
.L_overlay_start_1:
0x0: {  	(tag) =	ssettag $0x1  }
0x1: {  	s5 =	rddreg [dreg:$0x0]  }
0x2: {  	s1 =	rddreg [dreg:$0x1];
	s2 =	srdreg.scid  }
0x3: {  	s0 =	rddreg [dreg:$0x2];
	s3 =	simm.s32 $0x0;
	s18 =	simm.s32 $0x100  }
0x4: {  	s19 =	simm.s32 $0x1;
	s20 =	simm.s32 $0x80;
	s6 =	sand.u32 $0x1, s2  }
0x5: {  	s21 =	simm.s32 $0x2;
	s2 =	stileid.u32;
	s7 =	smul.u32 $0x140000, s6  }
0x6: {  	s22 =	simm.s32 $0x4200;
	s23 =	simm.s32 $0x3;
	s8 =	smul.u32 $0x14000, s2  }
0x7: {  	s24 =	simm.s32 $0x4;
	s25 =	simm.s32 $0x180;
	s9 =	smul.u32 $0x50000, s2  }
0x8: {  	[smem:$0x7FF] =	sst s3;
	s4 =	sadd.s32 $0x20C00, s5;
	s26 =	smul.u32 $0x50000, s6  }
0x9: {  	s15 =	sadd.s32 $0xCC00, s5;
	s10 =	smul.u32 $0x5000, s2;
	s6 =	ssub.s32 $0x2, s6  }
0xa: {  	_ =	strace $0x8000004A;
	s29 =	sshrl.u32 s6, $0x1;
	s7 =	sadd.s32 s8, s7  }
0xb: {  	s28 =	sshrl.u32 s9, $0x2;
	s13 =	sadd.s32 s10, s26;
	s14 =	ssub.s32 s6, s29  }
0xc: {  	s26 =	simm.s32 $0x0;
	s7 =	sshrl.u32 s7, $0x3;
	s30 =	sshrl.u32 s13, $0x3  }
0xd: {  	s16 =	sor.u32 $0x300, s13;
	s17 =	sor.u32 $0x200, s13;
	s13 =	smax.u32 s14, $0x1  }
0xe: {  	s12 =	sadd.s32 s7, s5;
	s5 =	sadd.s32 s28, s1;
	s9 =	sadd.s32 s15, s30  }
0xf: {  	s16 =	sshrl.u32 s16, $0x3;
	s31 =	sshrl.u32 s17, $0x3;
	s17 =	simm.s32 $0x5  }
0x10: {  	s6 =	sadd.s32 $0x4000, s5;
	s7 =	sadd.s32 $0x8000, s5;
	s8 =	sadd.s32 $0xC000, s5  }
0x11: {  	s10 =	sadd.s32 $0x10000, s5;
	s11 =	sadd.s32 $0x20, s9;
	s12 =	sadd.s32 $0x48C00, s12  }
0x12: {  	v0 =	vimm.f32 $0.0e+00;
	s14 =	sadd.s32 s16, s15;
	s15 =	sadd.s32 s31, s15;
	s16 =	simm.s32 $0x200  }
.LBB2_1:
0x13: {  	s28 =	sand.u32 $0xFE00, s3  }
0x14: {  	s29 =	sand.u32 $0x70, s3;
	s30 =	sshrl.u32 s28, $0x2  }
0x15: {  	s28 =	simm.s32 $0x40;
	s30 =	sor.u32 s29, s30;
	s29 =	simm.s32 $0x0  }
.LBB2_2:
0x16: {  	p0 =	sne.s32 s28, $0xFFC0  }
0x17: {  	[tilespmem:s30+$0x200] =	vst v0;
	s29 =	sadd.s32 $0x10, s29;
	s30 =	smov.u32 s28;
	s28 =	sadd.s32 $0x40, s28  }
.Ltmp0:
0x18: {  	(pc) =	sbr.rel @p0 .LBB2_2-.Ltmp0, $4  }
0x19: {  	_ = 	snop  }
0x1a: {  	s30 =	sand.u32 $0xFE00, s30  }
0x1b: {  	s31 =	sand.u32 $0x70, s29;
	s30 =	sshrl.u32 s30, $0x2  }
0x1c: {  	s30 =	sor.u32 s31, s30  }
0x1d: {  	[tilespmem:s30+$0x200] =	vst v0  }
0x1e: {  	[spmem:s5] =	stream.linear.scatter [tilespmem:s16], [sflag:$0x5], $0x4000, $0x38;
	[tilespmem:$0x1C200] =	vst v63  }
0x1f: {  	_ =	swait.ge [sflag:s17], $0x4000  }
0x20: {  	[sflag:s17] =	ssyncset.done $0x0  }
0x21: {  	[sflag:s17] =	ssyncadd.s32 $0xFFFFC000  }
0x22: {  	[spmem:s6] =	stream.linear.scatter [tilespmem:s16], [sflag:$0x5], $0x4000, $0x38;
	[tilespmem:$0x1C200] =	vst v63  }
0x23: {  	_ =	swait.ge [sflag:s17], $0x4000  }
0x24: {  	[sflag:s17] =	ssyncset.done $0x0  }
0x25: {  	[sflag:s17] =	ssyncadd.s32 $0xFFFFC000  }
0x26: {  	[spmem:s7] =	stream.linear.scatter [tilespmem:s16], [sflag:$0x5], $0x4000, $0x38;
	[tilespmem:$0x1C200] =	vst v63  }
0x27: {  	_ =	swait.ge [sflag:s17], $0x4000  }
0x28: {  	[sflag:s17] =	ssyncset.done $0x0  }
0x29: {  	[sflag:s17] =	ssyncadd.s32 $0xFFFFC000  }
0x2a: {  	[spmem:s8] =	stream.linear.scatter [tilespmem:s16], [sflag:$0x5], $0x4000, $0x38;
	[tilespmem:$0x1C200] =	vst v63  }
0x2b: {  	_ =	swait.ge [sflag:s17], $0x4000  }
0x2c: {  	[sflag:s17] =	ssyncset.done $0x0  }
0x2d: {  	[sflag:s17] =	ssyncadd.s32 $0xFFFFC000  }
0x2e: {  	[spmem:s10] =	stream.linear.scatter [tilespmem:s16], [sflag:$0x5], $0x4000, $0x38;
	[tilespmem:$0x1C200] =	vst v63  }
0x2f: {  	_ =	swait.ge [sflag:s17], $0x4000  }
0x30: {  	[sflag:s17] =	ssyncset.done $0x0  }
0x31: {  	s28 =	simm.s32 $0x0;
	[sflag:s17] =	ssyncadd.s32 $0xFFFFC000  }
0x32: {  	[tilespmem:s28], [sflag:$0x1] =	stream.linear.gather [hbm4b:s9+s28], $0x100, $0x38;
	[tilespmem:$0x1C200] =	vst v63  }
0x33: {  	_ = 	snop  }
0x34: {  	[tilespmem:s18], [sflag:$0x2] =	stream.linear.gather [hbm4b:s11+s28], $0x100, $0x38;
	[tilespmem:$0x1C200] =	vst v63  }
0x35: {  	_ =	swait.ge [sflag:s19], $0x100  }
0x36: {  	[sflag:s19] =	ssyncset.done $0x0  }
0x37: {  	[sflag:s19] =	ssyncadd.s32 $0xFFFFFF00  }
0x38: {  	[tilespmem:s16], [sflag:$0x3] =	stream.indirect.gather [hbm4b:s4+s20], $0x80, s28, s20, $0xb8;
	[tilespmem:$0x1C200] =	vst v63  }
0x39: {  	_ =	swait.ge [sflag:s21], $0x100  }
0x3a: {  	[sflag:s21] =	ssyncset.done $0x0  }
0x3b: {  	[sflag:s21] =	ssyncadd.s32 $0xFFFFFF00  }
0x3c: {  	[tilespmem:s22], [sflag:$0x4] =	stream.indirect.gather [hbm4b:s4+s20], $0x80, s18, s20, $0xb8;
	[tilespmem:$0x1C200] =	vst v63  }
0x3d: {  	[bflag:$0x0] =	sbarrier.arrive $0xFFFF  }
0x3e: {  	_ =	swait.ge [sflag:s23], $0x4000  }
0x3f: {  	[sflag:s23] =	ssyncset.done $0x0  }
0x40: {  	[sflag:s23] =	ssyncadd.s32 $0xFFFFC000  }
0x41: {  	[spmem:s1] =	stream.indirect.scatter.add.f32 [tilespmem:s16], [sflag:$0x5], $0x80, s20, s20, $0xb8;
	[tilespmem:$0x1C200] =	vst v63  }
0x42: {  	_ =	swait.ge [sflag:s17], $0x4000  }
0x43: {  	[sflag:s17] =	ssyncset.done $0x0  }
0x44: {  	s28 =	sadd.s32 $0x0, s15;
	[sflag:s17] =	ssyncadd.s32 $0xFFFFC000  }
0x45: {  	[tilespmem:s3], [sflag:$0x1] =	stream.linear.gather [hbm4b:s28+s3], $0x100, $0x38;
	[tilespmem:$0x1C200] =	vst v63  }
0x46: {  	_ =	swait.ge [sflag:s19], $0x100  }
0x47: {  	[sflag:s19] =	ssyncset.done $0x0  }
0x48: {  	[sflag:s19] =	ssyncadd.s32 $0xFFFFFF00  }
0x49: {  	[tilespmem:s16], [sflag:$0x3] =	stream.indirect.gather [hbm4b:s4+s20], $0x80, s3, s20, $0xb8;
	[tilespmem:$0x1C200] =	vst v63  }
0x4a: {  	_ =	swait.ge [sflag:s24], $0x4000  }
0x4b: {  	[sflag:s24] =	ssyncset.done $0x0  }
0x4c: {  	[sflag:s24] =	ssyncadd.s32 $0xFFFFC000  }
0x4d: {  	[spmem:s1] =	stream.indirect.scatter.add.f32 [tilespmem:s22], [sflag:$0x5], $0x80, s25, s20, $0xb8;
	[tilespmem:$0x1C200] =	vst v63  }
0x4e: {  	_ =	swait.ge [sflag:s17], $0x4000  }
0x4f: {  	[sflag:s17] =	ssyncset.done $0x0  }
0x50: {  	s28 =	sadd.s32 $0x0, s14;
	[sflag:s17] =	ssyncadd.s32 $0xFFFFC000  }
0x51: {  	[tilespmem:s18], [sflag:$0x2] =	stream.linear.gather [hbm4b:s28+s3], $0x100, $0x38;
	[tilespmem:$0x1C200] =	vst v63  }
0x52: {  	_ =	swait.ge [sflag:s21], $0x100  }
0x53: {  	[sflag:s21] =	ssyncset.done $0x0  }
0x54: {  	s28 =	simm.s32 $0x40;
	[sflag:s21] =	ssyncadd.s32 $0xFFFFFF00  }
.LBB2_4:
0x55: {  	[tilespmem:s22], [sflag:$0x4] =	stream.indirect.gather [hbm4b:s4+s20], $0x80, s18, s20, $0xb8;
	[tilespmem:$0x1C200] =	vst v63  }
0x56: {  	s29 =	smov.u32 s28  }
0x57: {  	p0 =	sne.s32 s28, $0x980;
	s28 =	sadd.s32 $0x40, s28;
	_ =	swait.ge [sflag:s23], $0x4000  }
0x58: {  	[sflag:s23] =	ssyncset.done $0x0  }
0x59: {  	[sflag:s23] =	ssyncadd.s32 $0xFFFFC000  }
0x5a: {  	[spmem:s1] =	stream.indirect.scatter.add.f32 [tilespmem:s16], [sflag:$0x5], $0x80, s20, s20, $0xb8;
	[tilespmem:$0x1C200] =	vst v63  }
0x5b: {  	_ =	swait.ge [sflag:s17], $0x4000  }
0x5c: {  	[sflag:s17] =	ssyncset.done $0x0  }
0x5d: {  	s30 =	sadd.s32 s29, s15;
	[sflag:s17] =	ssyncadd.s32 $0xFFFFC000  }
0x5e: {  	[tilespmem:s3], [sflag:$0x1] =	stream.linear.gather [hbm4b:s30+s3], $0x100, $0x38;
	[tilespmem:$0x1C200] =	vst v63  }
0x5f: {  	_ =	swait.ge [sflag:s19], $0x100  }
0x60: {  	[sflag:s19] =	ssyncset.done $0x0  }
0x61: {  	[sflag:s19] =	ssyncadd.s32 $0xFFFFFF00  }
0x62: {  	[tilespmem:s16], [sflag:$0x3] =	stream.indirect.gather [hbm4b:s4+s20], $0x80, s3, s20, $0xb8;
	[tilespmem:$0x1C200] =	vst v63  }
0x63: {  	_ =	swait.ge [sflag:s24], $0x4000  }
0x64: {  	[sflag:s24] =	ssyncset.done $0x0  }
0x65: {  	[sflag:s24] =	ssyncadd.s32 $0xFFFFC000  }
0x66: {  	[spmem:s1] =	stream.indirect.scatter.add.f32 [tilespmem:s22], [sflag:$0x5], $0x80, s25, s20, $0xb8;
	[tilespmem:$0x1C200] =	vst v63  }
0x67: {  	_ =	swait.ge [sflag:s17], $0x4000  }
0x68: {  	[sflag:s17] =	ssyncset.done $0x0  }
.Ltmp1:
0x69: {  	s29 =	sadd.s32 s29, s14;
	[sflag:s17] =	ssyncadd.s32 $0xFFFFC000;
	(pc) =	sbr.rel @p0 .LBB2_4-.Ltmp1, $4  }
0x6a: {  	[tilespmem:s18], [sflag:$0x2] =	stream.linear.gather [hbm4b:s29+s3], $0x100, $0x38;
	[tilespmem:$0x1C200] =	vst v63  }
0x6b: {  	_ =	swait.ge [sflag:s21], $0x100  }
0x6c: {  	[sflag:s21] =	ssyncset.done $0x0  }
0x6d: {  	[sflag:s21] =	ssyncadd.s32 $0xFFFFFF00  }
0x6e: {  	[tilespmem:s22], [sflag:$0x4] =	stream.indirect.gather [hbm4b:s4+s20], $0x80, s18, s20, $0xb8;
	[tilespmem:$0x1C200] =	vst v63  }
0x6f: {  	_ =	swait.ge [sflag:s23], $0x4000  }
0x70: {  	[sflag:s23] =	ssyncset.done $0x0  }
0x71: {  	[sflag:s23] =	ssyncadd.s32 $0xFFFFC000  }
0x72: {  	[spmem:s1] =	stream.indirect.scatter.add.f32 [tilespmem:s16], [sflag:$0x5], $0x80, s20, s20, $0xb8;
	[tilespmem:$0x1C200] =	vst v63  }
0x73: {  	_ =	swait.ge [sflag:s17], $0x4000  }
0x74: {  	[sflag:s17] =	ssyncset.done $0x0  }
0x75: {  	[sflag:s17] =	ssyncadd.s32 $0xFFFFC000  }
0x76: {  	_ =	swait.ge [sflag:s24], $0x4000  }
0x77: {  	[sflag:s24] =	ssyncset.done $0x0  }
0x78: {  	[sflag:s24] =	ssyncadd.s32 $0xFFFFC000  }
0x79: {  	[spmem:s1] =	stream.indirect.scatter.add.f32 [tilespmem:s22], [sflag:$0x5], $0x80, s25, s20, $0xb8;
	[tilespmem:$0x1C200] =	vst v63  }
0x7a: {  	_ =	swait.ge [sflag:s17], $0x4000  }
0x7b: {  	s28 =	sshll.u32 s2, $0x6;
	s26 =	sadd.s32 $0x1, s26;
	[sflag:s17] =	ssyncset.done $0x0  }
0x7c: {  	s29 =	sshrl.u32 s5, $0x3;
	p0 =	sne.s32 s26, s13;
	[sflag:s17] =	ssyncadd.s32 $0xFFFFC000  }
.Ltmp2:
0x7d: {  	s28 =	sor.u32 $0x1C05, s28;
	[bflag:$0x0] =	sbarrier.arrive $0xFFFF;
	(pc) =	sbr.rel @p0 .LBB2_1-.Ltmp2, $4  }
0x7e: {  	[hbm:s12], [sflag:s28] =	dma.local [spmem:s29], $0x2800  }
0x7f: {  	_ =	swait.ge [sflag:s17], $0x2800  }
0x80: {  	[sflag:s17] =	ssyncset.done $0x0  }
0x81: {  	[sflag:s17] =	ssyncadd.s32 $0xFFFFD800  }
0x82: {  	_ =	sfence.sel $0x180000  }
0x83: {  	[bflag:$0x0] =	sbarrier.arrive $0xFFFF  }
0x84: {  	p0 =	sne.s32 s2, $0x0;
	_ =	strace $0x9000004A  }
0x85: {  	s0 =	sadd.s32 @!p0 $0x100000, s0;
	[bflag:$0x2] =	sbarrier.arrive $0xFFFF  }
0x86: {  	[sflag:s0] =	ssyncadd.tile.s32 @!p0 $0x1;
	_ =	shalt  }
.Lfunc_end2:
_tile_overlayer_lowered:
.L_overlay_start_2:
0x87: {  	(tag) =	ssettag $0x2  }
0x88: {  	s0 =	rddreg [dreg:$0x0];
	s2 =	stileid.u32  }
0x89: {  	s1 =	rddreg [dreg:$0x1];
	p0 =	sne.s32 s2, $0x0  }
0x8a: {  	s3 =	rddreg [dreg:$0x2];
	[bflag:$0x3] =	sbarrier.arrive $0xFFFF;
	s2 =	simm.s32 @!p0 $0x1C05  }
0x8b: {  	[timem:s3], [sflag:s2] =	dma.local @!p0 [hbm:s0], s1  }
0x8c: {  	s0 =	simm.s32 @!p0 $0x5  }
0x8d: {  	_ =	swait.ge @!p0 [sflag:s0], s1  }
0x8e: {  	s1 =	ssub.s32 @!p0 $0x0, s1;
	[sflag:s0] =	ssyncset.done @!p0 $0x0  }
0x8f: {  	[sflag:s0] =	ssyncadd.s32 @!p0 s1  }
0x90: {  	[bflag:$0x3] =	sbarrier.arrive $0xFFFF  }
0x91: {  	_ =	shalt  }

// kernel: kernel.14.cloned.1.call-start
scs
__scs_entry_jumppad:
0x0: {  	(pc) =	sbr.rel $0x88, $3  }
0x1: {  	(tag) =	ssettag $0x0;
	lr =	simm.s32 $0x1  }
0x2: {  	[smem:$0x3F99] =	sst lr;
	_ =	strace $0xD0000000  }
0x3: {  	_ = 	snop  }
0x4: {  	_ = 	snop  }
0x5: {  	_ = 	snop  }
0x6: {  	_ = 	snop  }
0x7: {  	_ = 	snop  }
__scs_overlays_trampoline_lowered:
0x8: {  	[smem:$0x3FA8] =	sst s0  }
0x9: {  	[smem:$0x3FA9] =	sst s1  }
0xa: {  	[smem:$0x3FAA] =	sst s2  }
0xb: {  	[smem:$0x3FAB] =	sst s3  }
0xc: {  	[smem:$0x3FAC] =	sst s4  }
0xd: {  	[smem:$0x3FAD] =	sst s5  }
0xe: {  	[smem:$0x3FAE] =	sst s6  }
0xf: {  	[smem:$0x3FAF] =	sst s7  }
0x10: {  	[smem:$0x3FB0] =	sst s8  }
0x11: {  	[smem:$0x3FB1] =	sst s9;
	s0 =	simm.s32 @!p0 $0x0  }
0x12: {  	s1 =	sld [smem:$0x3F97];
	s0 =	simm.s32 @p0 $0x1  }
0x13: {  	[smem:$0x3FB2] =	sst s0;
	s0 =	simm.s32 @!p1 $0x0  }
0x14: {  	s2 =	sld [smem:$0x3F96];
	s0 =	simm.s32 @p1 $0x1  }
0x15: {  	[smem:$0x3FB3] =	sst s0;
	s0 =	simm.s32 @!p2 $0x0  }
0x16: {  	s3 =	sld [smem:$0x3FDB];
	s0 =	simm.s32 @p2 $0x1  }
0x17: {  	s4 =	simm.s32 $0x1BF5;
	[smem:$0x3FB5] =	sst s0  }
0x18: {  	s0 =	sld [smem:$0x3F98];
	_ =	swait.ge [sflag:s4], $0x0  }
0x19: {  	s7 =	sld [smem:$0x3F99]  }
0x1a: {  	s8 =	sadd.s32 $0xFFFFE003, lr  }
0x1b: {  	s9 =	sadd.s32 $0xFFFFFEF7, lr;
	s5 =	simm.s32 $0xFFFFFFFF;
	p2 =	slt.u32 s8, $0xFFFFF086  }
0x1c: {  	p1 =	slt.u32 s9, $0xF7A;
	s5 =	simm.s32 @!p2 $0x0  }
0x1d: {  	s5 =	simm.s32 @p1 $0x1;
	p0 =	seq.s32 s7, s2  }
0x1e: {  	s7 =	smul.u32 @!p0 $0xF7A, s2;
	p2 =	seq.s32 @!p0 s5, $0x0  }
0x1f: {  	s9 =	smul.u32 $0xF7A, s1;
	s8 =	simm.s32 @!p0 $0x1BF5;
	p2 =	por !p2, p0  }
0x20: {  	[sflag:s8] =	ssyncset.s32 @!p0 $0xFFFFF086;
	s6 =	sadd.s32 @!p0 s3, s7;
	s7 =	simm.s32 @!p0 $0x108  }
0x21: {  	s3 =	sadd.s32 s3, s9;
	s6 =	sadd.s32 @!p0 $0x88, s6;
	s7 =	simm.s32 @p2 $0x1082  }
0x22: {  	[simem:s7], [sflag:s8] =	dma.local @!p0 [hbm:s6], $0xF7A  }
0x23: {  	s9 =	sor.u32 $0xD0000000, s2;
	s6 =	simm.s32 $0x108;
	_ =	swait.ge @!p0 [sflag:s8], $0x0  }
0x24: {  	s3 =	sadd.s32 $0x88, s3;
	s6 =	simm.s32 @!p1 $0x1082;
	[sflag:s4] =	ssyncset.s32 $0xFFFFF086  }
0x25: {  	[simem:s6], [sflag:s4] =	dma.local [hbm:s3], $0xF7A  }
0x26: {  	[smem:$0x3F99] =	sst s1;
	(tag) =	ssettag s2;
	_ =	strace s9  }
0x27: {  	s1 =	sld [smem:$0x3FA9]  }
0x28: {  	s2 =	sld [smem:$0x3FAA]  }
0x29: {  	s4 =	sld [smem:$0x3FAC]  }
0x2a: {  	p0 =	seq.s32 s5, $0x0;
	s5 =	sld [smem:$0x3FAD]  }
0x2b: {  	s6 =	sld [smem:$0x3FAE]  }
0x2c: {  	s7 =	sld [smem:$0x3FAF]  }
0x2d: {  	s3 =	simm.s32 $0x108;
	s8 =	sld [smem:$0x3FB0]  }
0x2e: {  	s3 =	simm.s32 @!p0 $0x1082;
	s9 =	sld [smem:$0x3FB1]  }
0x2f: {  	lr =	sadd.s32 s0, s3;
	s0 =	sld [smem:$0x3FA8]  }
0x30: {  	s3 =	sld [smem:$0x3FAB]  }
0x31: {  	[smem:$0x3FB4] =	sst s10  }
0x32: {  	s10 =	sld [smem:$0x3FB2];
	_ =	sdelay $0x3  }
0x33: {  	p0 =	seq.s32 s10, $0x1;
	s10 =	sld [smem:$0x3FB4];
	_ =	sdelay $0x3  }
0x34: {  	[smem:$0x3FB4] =	sst s10  }
0x35: {  	s10 =	sld [smem:$0x3FB3];
	_ =	sdelay $0x3  }
0x36: {  	p1 =	seq.s32 s10, $0x1;
	s10 =	sld [smem:$0x3FB4];
	_ =	sdelay $0x3  }
0x37: {  	[smem:$0x3FB4] =	sst s10  }
0x38: {  	s10 =	sld [smem:$0x3FB5]  }
0x39: {  	_ = 	snop;
	(pc) =	sbr.ind lr, $3  }
0x3a: {  	_ = 	snop  }
0x3b: {  	_ = 	snop  }
0x3c: {  	p2 =	seq.s32 s10, $0x1;
	s10 =	sld [smem:$0x3FB4]  }
0x3d: {  	_ =	shalt  }
0x3e: {  	_ =	shalt  }
0x3f: {  	_ =	shalt  }
0x40: {  	_ =	shalt  }
0x41: {  	_ =	shalt  }
0x42: {  	_ =	shalt  }
0x43: {  	_ =	shalt  }
0x44: {  	_ =	shalt  }
0x45: {  	_ =	shalt  }
0x46: {  	_ =	shalt  }
0x47: {  	_ =	shalt  }
0x48: {  	_ =	shalt  }
0x49: {  	_ =	shalt  }
0x4a: {  	_ =	shalt  }
0x4b: {  	_ =	shalt  }
0x4c: {  	_ =	shalt  }
0x4d: {  	_ =	shalt  }
0x4e: {  	_ =	shalt  }
0x4f: {  	_ =	shalt  }
0x50: {  	_ =	shalt  }
0x51: {  	_ =	shalt  }
0x52: {  	_ =	shalt  }
0x53: {  	_ =	shalt  }
0x54: {  	_ =	shalt  }
0x55: {  	_ =	shalt  }
0x56: {  	_ =	shalt  }
0x57: {  	_ =	shalt  }
0x58: {  	_ =	shalt  }
0x59: {  	_ =	shalt  }
0x5a: {  	_ =	shalt  }
0x5b: {  	_ =	shalt  }
0x5c: {  	_ =	shalt  }
0x5d: {  	_ =	shalt  }
0x5e: {  	_ =	shalt  }
0x5f: {  	_ =	shalt  }
0x60: {  	_ =	shalt  }
0x61: {  	_ =	shalt  }
0x62: {  	_ =	shalt  }
0x63: {  	_ =	shalt  }
0x64: {  	_ =	shalt  }
0x65: {  	_ =	shalt  }
0x66: {  	_ =	shalt  }
0x67: {  	_ =	shalt  }
0x68: {  	_ =	shalt  }
0x69: {  	_ =	shalt  }
0x6a: {  	_ =	shalt  }
0x6b: {  	_ =	shalt  }
0x6c: {  	_ =	shalt  }
0x6d: {  	_ =	shalt  }
0x6e: {  	_ =	shalt  }
0x6f: {  	_ =	shalt  }
0x70: {  	_ =	shalt  }
0x71: {  	_ =	shalt  }
0x72: {  	_ =	shalt  }
0x73: {  	_ =	shalt  }
0x74: {  	_ =	shalt  }
0x75: {  	_ =	shalt  }
0x76: {  	_ =	shalt  }
0x77: {  	_ =	shalt  }
0x78: {  	_ =	shalt  }
0x79: {  	_ =	shalt  }
0x7a: {  	_ =	shalt  }
0x7b: {  	_ =	shalt  }
0x7c: {  	_ =	shalt  }
0x7d: {  	_ =	shalt  }
0x7e: {  	_ =	shalt  }
0x7f: {  	_ =	shalt  }
0x80: {  	_ =	shalt  }
0x81: {  	_ =	shalt  }
0x82: {  	_ =	shalt  }
0x83: {  	_ =	shalt  }
0x84: {  	_ =	shalt  }
0x85: {  	_ =	shalt  }
0x86: {  	_ =	shalt  }
0x87: {  	_ =	shalt  }
.Lfunc_end0:
.L_simem_size_0:
called_computation.2_lowered:
.L_overlay_start_0:
0x88: {  	s2 =	sld [smem:$0x3FD9]  }
0x89: {  	s3 =	sld [smem:$0x3FFE];
	_ =	sdelay $0x1  }
0x8a: {  	s1 =	srdreg.scid  }
0x8b: {  	s0 =	sand.u32 $0x1, s1  }
0x8c: {  	s16 =	sshll.u32 s0, $0xA;
	s2 =	sadd.s32 s3, s2  }
0x8d: {  	s2 =	sadd.s32 s2, s16  }
0x8e: {  	[smem:$0x3FC0] =	sst s2  }
0x8f: {  	_ = 	snop  }
0x90: {  	(tm) =	ssettm $0x1  }
0x91: {  	s17 =	sld [smem:$0x3FFB];
	_ =	sdelay $0x3  }
0x92: {  	_ =	strace s17  }
0x93: {  	s2 =	sld [smem:$0x3FFC];
	_ =	sdelay $0x3  }
0x94: {  	_ =	strace s2  }
0x95: {  	s2 =	sld [smem:$0x3FFD];
	_ =	sdelay $0x3  }
0x96: {  	_ =	strace s2  }
0x97: {  	_ =	strace $0x8FFFFFFF  }
0x98: {  	s18 =	sld [smem:$0x3FDB];
	_ =	sdelay $0x1  }
0x99: {  	s19 =	simm.s32 $_scs_section_size  }
0x9a: {  	s4 =	simm.s32 $_size__tile_overlayer_lowered;
	s5 =	simm.s32 $_tile_overlayer_lowered  }
0x9b: {  	s22 =	simm.s32 $0x1BFF;
	s21 =	sshll.u32 s5, $0x1;
	s2 =	sadd.s32 s19, s18  }
0x9c: {  	s6 =	simm.s32 $0x0;
	s20 =	sshll.u32 s4, $0x1;
	s4 =	sadd.s32 s21, s2  }
0x9d: {  	[timem:s6], [sflag:s22] =	dma.local [hbm:s4], s20  }
0x9e: {  	_ =	swait.ge [sflag:s22], s20  }
0x9f: {  	s3 =	ssub.s32 $0x0, s20;
	[sflag:s22] =	ssyncset.done $0x0  }
0xa0: {  	[sflag:s22] =	ssyncadd.s32 s3;
	_ =	sdelay $0x1  }
0xa1: {  	s23 =	simm.s32 $0x1B8B  }
0xa2: {  	_ =	swait.ge [sflag:s23], $0x1  }
0xa3: {  	[sflag:s23] =	ssyncset.done $0x0  }
0xa4: {  	s25 =	simm.s32 $0x1B8E;
	s24 =	sld [smem:$0x3FFE];
	[sflag:s23] =	ssyncadd.s32 $0xFFFFFFFF  }
0xa5: {  	s26 =	simm.s32 $execute0_lowered;
	[smem:$0x3FD2] =	sst s25  }
0xa6: {  	s4 =	sshll.u32 s26, $0x1;
	_ =	strace $0x8000004C;
	[dreg:$0x1] =	wrdreg $0xFFFFFFFF  }
0xa7: {  	s28 =	simm.s32 $_size_execute0_lowered;
	s2 =	sadd.s32 s2, s4;
	[dreg:$0x0] =	wrdreg $0x0  }
0xa8: {  	s4 =	sshll.u32 s28, $0x1;
	[dreg:$0x2] =	wrdreg s2  }
0xa9: {  	[dreg:$0x3] =	wrdreg s4  }
0xaa: {  	[dreg:$0x4] =	wrdreg $0xC0  }
0xab: {  	_ =	task [dreg:s6], $0x5FFFF  }
0xac: {  	[dreg:$0x1] =	wrdreg $0xFFFFFFFF  }
0xad: {  	[dreg:$0x0] =	wrdreg $0x60  }
0xae: {  	[dreg:$0x2] =	wrdreg s24  }
0xaf: {  	[dreg:$0x3] =	wrdreg $0x82000  }
0xb0: {  	[dreg:$0x4] =	wrdreg $0x9  }
0xb1: {  	_ =	task.clear_ibuf [dreg:s6], $0x5FFFF;
	_ =	strace $0x9000004C  }
0xb2: {  	s29 =	simm.s32 $0x9;
	_ =	strace $0x8000004E  }
0xb3: {  	_ =	swait.ge [sflag:s29], $0x1  }
0xb4: {  	[sflag:s29] =	ssyncadd.s32 $0xFFFFFFFF  }
0xb5: {  	_ =	strace $0x9000004E  }
0xb6: {  	_ =	sfence  }
0xb7: {  	s30 =	sld [smem:$0x0];
	_ =	sdelay $0x2  }
0xb8: {  	s31 =	sshll.u32 s1, $0xD;
	s1 =	sshrl.u32 s1, $0x2  }
0xb9: {  	s3 =	sand.u32 $0x4000, s31;
	s1 =	sadd.s32 s1, s30  }
0xba: {  	s0 =	sor.u32 s3, s0;
	s1 =	sshll.u32 s1, $0x11  }
0xbb: {  	s0 =	sor.u32 s1, s0  }
0xbc: {  	s0 =	sadd.s32 $0x8F2B, s0  }
0xbd: {  	[sflag:s0] =	ssyncadd.remote.s32 $0x1  }
0xbe: {  	_ =	sfence.sel $0xFFFF  }
0xbf: {  	[dreg:$0x0] =	wrdreg $0xFFFFFFFF;
	(pc) =	sbr.abs _section_cstart, $3  }
0xc0: {  	[dreg:$0x1] =	wrdreg $0xFFFFFFFF  }
0xc1: {  	_ =	task.clear_ibuf [dreg:s6], $0x2FFFF;
	_ =	strace $0x9FFFFFFF  }
0xc2: {  	(tm) =	ssettm $0x7FFFFFFF  }
0xc3: {  	_ =	shalt  }
tec
execute0_lowered:
.L_overlay_start_1:
0x0: {  	(tag) =	ssettag $0x1  }
0x1: {  	s5 =	rddreg [dreg:$0x0]  }
0x2: {  	s1 =	rddreg [dreg:$0x1];
	s2 =	srdreg.scid  }
0x3: {  	s0 =	rddreg [dreg:$0x2];
	s3 =	simm.s32 $0x0;
	s18 =	simm.s32 $0x100  }
0x4: {  	s19 =	simm.s32 $0x1;
	s20 =	simm.s32 $0x80;
	s6 =	sand.u32 $0x1, s2  }
0x5: {  	s21 =	simm.s32 $0x2;
	s2 =	stileid.u32;
	s7 =	smul.u32 $0x140000, s6  }
0x6: {  	s22 =	simm.s32 $0x4200;
	s23 =	simm.s32 $0x3;
	s8 =	smul.u32 $0x14000, s2  }
0x7: {  	s24 =	simm.s32 $0x4;
	s25 =	simm.s32 $0x180;
	s9 =	smul.u32 $0x50000, s2  }
0x8: {  	[smem:$0x7FF] =	sst s3;
	s4 =	sadd.s32 $0x20C00, s5;
	s26 =	smul.u32 $0x50000, s6  }
0x9: {  	s15 =	sadd.s32 $0xCC00, s5;
	s10 =	smul.u32 $0x5000, s2;
	s6 =	ssub.s32 $0x2, s6  }
0xa: {  	_ =	strace $0x8000004D;
	s29 =	sshrl.u32 s6, $0x1;
	s7 =	sadd.s32 s8, s7  }
0xb: {  	s28 =	sshrl.u32 s9, $0x2;
	s13 =	sadd.s32 s10, s26;
	s14 =	ssub.s32 s6, s29  }
0xc: {  	s26 =	simm.s32 $0x0;
	s7 =	sshrl.u32 s7, $0x3;
	s30 =	sshrl.u32 s13, $0x3  }
0xd: {  	s16 =	sor.u32 $0x300, s13;
	s17 =	sor.u32 $0x200, s13;
	s13 =	smax.u32 s14, $0x1  }
0xe: {  	s12 =	sadd.s32 s7, s5;
	s5 =	sadd.s32 s28, s1;
	s9 =	sadd.s32 s15, s30  }
0xf: {  	s16 =	sshrl.u32 s16, $0x3;
	s31 =	sshrl.u32 s17, $0x3;
	s17 =	simm.s32 $0x5  }
0x10: {  	s6 =	sadd.s32 $0x4000, s5;
	s7 =	sadd.s32 $0x8000, s5;
	s8 =	sadd.s32 $0xC000, s5  }
0x11: {  	s10 =	sadd.s32 $0x10000, s5;
	s11 =	sadd.s32 $0x20, s9;
	s12 =	sadd.s32 $0x48C00, s12  }
0x12: {  	v0 =	vimm.f32 $0.0e+00;
	s14 =	sadd.s32 s16, s15;
	s15 =	sadd.s32 s31, s15;
	s16 =	simm.s32 $0x200  }
.LBB2_1:
0x13: {  	s28 =	sand.u32 $0xFE00, s3  }
0x14: {  	s29 =	sand.u32 $0x70, s3;
	s30 =	sshrl.u32 s28, $0x2  }
0x15: {  	s28 =	simm.s32 $0x40;
	s30 =	sor.u32 s29, s30;
	s29 =	simm.s32 $0x0  }
.LBB2_2:
0x16: {  	p0 =	sne.s32 s28, $0xFFC0  }
0x17: {  	[tilespmem:s30+$0x200] =	vst v0;
	s29 =	sadd.s32 $0x10, s29;
	s30 =	smov.u32 s28;
	s28 =	sadd.s32 $0x40, s28  }
.Ltmp0:
0x18: {  	(pc) =	sbr.rel @p0 .LBB2_2-.Ltmp0, $4  }
0x19: {  	_ = 	snop  }
0x1a: {  	s30 =	sand.u32 $0xFE00, s30  }
0x1b: {  	s31 =	sand.u32 $0x70, s29;
	s30 =	sshrl.u32 s30, $0x2  }
0x1c: {  	s30 =	sor.u32 s31, s30  }
0x1d: {  	[tilespmem:s30+$0x200] =	vst v0  }
0x1e: {  	[spmem:s5] =	stream.linear.scatter [tilespmem:s16], [sflag:$0x5], $0x4000, $0x38;
	[tilespmem:$0x1C200] =	vst v63  }
0x1f: {  	_ =	swait.ge [sflag:s17], $0x4000  }
0x20: {  	[sflag:s17] =	ssyncset.done $0x0  }
0x21: {  	[sflag:s17] =	ssyncadd.s32 $0xFFFFC000  }
0x22: {  	[spmem:s6] =	stream.linear.scatter [tilespmem:s16], [sflag:$0x5], $0x4000, $0x38;
	[tilespmem:$0x1C200] =	vst v63  }
0x23: {  	_ =	swait.ge [sflag:s17], $0x4000  }
0x24: {  	[sflag:s17] =	ssyncset.done $0x0  }
0x25: {  	[sflag:s17] =	ssyncadd.s32 $0xFFFFC000  }
0x26: {  	[spmem:s7] =	stream.linear.scatter [tilespmem:s16], [sflag:$0x5], $0x4000, $0x38;
	[tilespmem:$0x1C200] =	vst v63  }
0x27: {  	_ =	swait.ge [sflag:s17], $0x4000  }
0x28: {  	[sflag:s17] =	ssyncset.done $0x0  }
0x29: {  	[sflag:s17] =	ssyncadd.s32 $0xFFFFC000  }
0x2a: {  	[spmem:s8] =	stream.linear.scatter [tilespmem:s16], [sflag:$0x5], $0x4000, $0x38;
	[tilespmem:$0x1C200] =	vst v63  }
0x2b: {  	_ =	swait.ge [sflag:s17], $0x4000  }
0x2c: {  	[sflag:s17] =	ssyncset.done $0x0  }
0x2d: {  	[sflag:s17] =	ssyncadd.s32 $0xFFFFC000  }
0x2e: {  	[spmem:s10] =	stream.linear.scatter [tilespmem:s16], [sflag:$0x5], $0x4000, $0x38;
	[tilespmem:$0x1C200] =	vst v63  }
0x2f: {  	_ =	swait.ge [sflag:s17], $0x4000  }
0x30: {  	[sflag:s17] =	ssyncset.done $0x0  }
0x31: {  	s28 =	simm.s32 $0x0;
	[sflag:s17] =	ssyncadd.s32 $0xFFFFC000  }
0x32: {  	[tilespmem:s28], [sflag:$0x1] =	stream.linear.gather [hbm4b:s9+s28], $0x100, $0x38;
	[tilespmem:$0x1C200] =	vst v63  }
0x33: {  	_ = 	snop  }
0x34: {  	[tilespmem:s18], [sflag:$0x2] =	stream.linear.gather [hbm4b:s11+s28], $0x100, $0x38;
	[tilespmem:$0x1C200] =	vst v63  }
0x35: {  	_ =	swait.ge [sflag:s19], $0x100  }
0x36: {  	[sflag:s19] =	ssyncset.done $0x0  }
0x37: {  	[sflag:s19] =	ssyncadd.s32 $0xFFFFFF00  }
0x38: {  	[tilespmem:s16], [sflag:$0x3] =	stream.indirect.gather [hbm4b:s4+s20], $0x80, s28, s20, $0xb8;
	[tilespmem:$0x1C200] =	vst v63  }
0x39: {  	_ =	swait.ge [sflag:s21], $0x100  }
0x3a: {  	[sflag:s21] =	ssyncset.done $0x0  }
0x3b: {  	[sflag:s21] =	ssyncadd.s32 $0xFFFFFF00  }
0x3c: {  	[tilespmem:s22], [sflag:$0x4] =	stream.indirect.gather [hbm4b:s4+s20], $0x80, s18, s20, $0xb8;
	[tilespmem:$0x1C200] =	vst v63  }
0x3d: {  	[bflag:$0x0] =	sbarrier.arrive $0xFFFF  }
0x3e: {  	_ =	swait.ge [sflag:s23], $0x4000  }
0x3f: {  	[sflag:s23] =	ssyncset.done $0x0  }
0x40: {  	[sflag:s23] =	ssyncadd.s32 $0xFFFFC000  }
0x41: {  	[spmem:s1] =	stream.indirect.scatter.add.f32 [tilespmem:s16], [sflag:$0x5], $0x80, s20, s20, $0xb8;
	[tilespmem:$0x1C200] =	vst v63  }
0x42: {  	_ =	swait.ge [sflag:s17], $0x4000  }
0x43: {  	[sflag:s17] =	ssyncset.done $0x0  }
0x44: {  	s28 =	sadd.s32 $0x0, s15;
	[sflag:s17] =	ssyncadd.s32 $0xFFFFC000  }
0x45: {  	[tilespmem:s3], [sflag:$0x1] =	stream.linear.gather [hbm4b:s28+s3], $0x100, $0x38;
	[tilespmem:$0x1C200] =	vst v63  }
0x46: {  	_ =	swait.ge [sflag:s19], $0x100  }
0x47: {  	[sflag:s19] =	ssyncset.done $0x0  }
0x48: {  	[sflag:s19] =	ssyncadd.s32 $0xFFFFFF00  }
0x49: {  	[tilespmem:s16], [sflag:$0x3] =	stream.indirect.gather [hbm4b:s4+s20], $0x80, s3, s20, $0xb8;
	[tilespmem:$0x1C200] =	vst v63  }
0x4a: {  	_ =	swait.ge [sflag:s24], $0x4000  }
0x4b: {  	[sflag:s24] =	ssyncset.done $0x0  }
0x4c: {  	[sflag:s24] =	ssyncadd.s32 $0xFFFFC000  }
0x4d: {  	[spmem:s1] =	stream.indirect.scatter.add.f32 [tilespmem:s22], [sflag:$0x5], $0x80, s25, s20, $0xb8;
	[tilespmem:$0x1C200] =	vst v63  }
0x4e: {  	_ =	swait.ge [sflag:s17], $0x4000  }
0x4f: {  	[sflag:s17] =	ssyncset.done $0x0  }
0x50: {  	s28 =	sadd.s32 $0x0, s14;
	[sflag:s17] =	ssyncadd.s32 $0xFFFFC000  }
0x51: {  	[tilespmem:s18], [sflag:$0x2] =	stream.linear.gather [hbm4b:s28+s3], $0x100, $0x38;
	[tilespmem:$0x1C200] =	vst v63  }
0x52: {  	_ =	swait.ge [sflag:s21], $0x100  }
0x53: {  	[sflag:s21] =	ssyncset.done $0x0  }
0x54: {  	s28 =	simm.s32 $0x40;
	[sflag:s21] =	ssyncadd.s32 $0xFFFFFF00  }
.LBB2_4:
0x55: {  	[tilespmem:s22], [sflag:$0x4] =	stream.indirect.gather [hbm4b:s4+s20], $0x80, s18, s20, $0xb8;
	[tilespmem:$0x1C200] =	vst v63  }
0x56: {  	s29 =	smov.u32 s28  }
0x57: {  	p0 =	sne.s32 s28, $0x980;
	s28 =	sadd.s32 $0x40, s28;
	_ =	swait.ge [sflag:s23], $0x4000  }
0x58: {  	[sflag:s23] =	ssyncset.done $0x0  }
0x59: {  	[sflag:s23] =	ssyncadd.s32 $0xFFFFC000  }
0x5a: {  	[spmem:s1] =	stream.indirect.scatter.add.f32 [tilespmem:s16], [sflag:$0x5], $0x80, s20, s20, $0xb8;
	[tilespmem:$0x1C200] =	vst v63  }
0x5b: {  	_ =	swait.ge [sflag:s17], $0x4000  }
0x5c: {  	[sflag:s17] =	ssyncset.done $0x0  }
0x5d: {  	s30 =	sadd.s32 s29, s15;
	[sflag:s17] =	ssyncadd.s32 $0xFFFFC000  }
0x5e: {  	[tilespmem:s3], [sflag:$0x1] =	stream.linear.gather [hbm4b:s30+s3], $0x100, $0x38;
	[tilespmem:$0x1C200] =	vst v63  }
0x5f: {  	_ =	swait.ge [sflag:s19], $0x100  }
0x60: {  	[sflag:s19] =	ssyncset.done $0x0  }
0x61: {  	[sflag:s19] =	ssyncadd.s32 $0xFFFFFF00  }
0x62: {  	[tilespmem:s16], [sflag:$0x3] =	stream.indirect.gather [hbm4b:s4+s20], $0x80, s3, s20, $0xb8;
	[tilespmem:$0x1C200] =	vst v63  }
0x63: {  	_ =	swait.ge [sflag:s24], $0x4000  }
0x64: {  	[sflag:s24] =	ssyncset.done $0x0  }
0x65: {  	[sflag:s24] =	ssyncadd.s32 $0xFFFFC000  }
0x66: {  	[spmem:s1] =	stream.indirect.scatter.add.f32 [tilespmem:s22], [sflag:$0x5], $0x80, s25, s20, $0xb8;
	[tilespmem:$0x1C200] =	vst v63  }
0x67: {  	_ =	swait.ge [sflag:s17], $0x4000  }
0x68: {  	[sflag:s17] =	ssyncset.done $0x0  }
.Ltmp1:
0x69: {  	s29 =	sadd.s32 s29, s14;
	[sflag:s17] =	ssyncadd.s32 $0xFFFFC000;
	(pc) =	sbr.rel @p0 .LBB2_4-.Ltmp1, $4  }
0x6a: {  	[tilespmem:s18], [sflag:$0x2] =	stream.linear.gather [hbm4b:s29+s3], $0x100, $0x38;
	[tilespmem:$0x1C200] =	vst v63  }
0x6b: {  	_ =	swait.ge [sflag:s21], $0x100  }
0x6c: {  	[sflag:s21] =	ssyncset.done $0x0  }
0x6d: {  	[sflag:s21] =	ssyncadd.s32 $0xFFFFFF00  }
0x6e: {  	[tilespmem:s22], [sflag:$0x4] =	stream.indirect.gather [hbm4b:s4+s20], $0x80, s18, s20, $0xb8;
	[tilespmem:$0x1C200] =	vst v63  }
0x6f: {  	_ =	swait.ge [sflag:s23], $0x4000  }
0x70: {  	[sflag:s23] =	ssyncset.done $0x0  }
0x71: {  	[sflag:s23] =	ssyncadd.s32 $0xFFFFC000  }
0x72: {  	[spmem:s1] =	stream.indirect.scatter.add.f32 [tilespmem:s16], [sflag:$0x5], $0x80, s20, s20, $0xb8;
	[tilespmem:$0x1C200] =	vst v63  }
0x73: {  	_ =	swait.ge [sflag:s17], $0x4000  }
0x74: {  	[sflag:s17] =	ssyncset.done $0x0  }
0x75: {  	[sflag:s17] =	ssyncadd.s32 $0xFFFFC000  }
0x76: {  	_ =	swait.ge [sflag:s24], $0x4000  }
0x77: {  	[sflag:s24] =	ssyncset.done $0x0  }
0x78: {  	[sflag:s24] =	ssyncadd.s32 $0xFFFFC000  }
0x79: {  	[spmem:s1] =	stream.indirect.scatter.add.f32 [tilespmem:s22], [sflag:$0x5], $0x80, s25, s20, $0xb8;
	[tilespmem:$0x1C200] =	vst v63  }
0x7a: {  	_ =	swait.ge [sflag:s17], $0x4000  }
0x7b: {  	s28 =	sshll.u32 s2, $0x6;
	s26 =	sadd.s32 $0x1, s26;
	[sflag:s17] =	ssyncset.done $0x0  }
0x7c: {  	s29 =	sshrl.u32 s5, $0x3;
	p0 =	sne.s32 s26, s13;
	[sflag:s17] =	ssyncadd.s32 $0xFFFFC000  }
.Ltmp2:
0x7d: {  	s28 =	sor.u32 $0x1C05, s28;
	[bflag:$0x0] =	sbarrier.arrive $0xFFFF;
	(pc) =	sbr.rel @p0 .LBB2_1-.Ltmp2, $4  }
0x7e: {  	[hbm:s12], [sflag:s28] =	dma.local [spmem:s29], $0x2800  }
0x7f: {  	_ =	swait.ge [sflag:s17], $0x2800  }
0x80: {  	[sflag:s17] =	ssyncset.done $0x0  }
0x81: {  	[sflag:s17] =	ssyncadd.s32 $0xFFFFD800  }
0x82: {  	_ =	sfence.sel $0x180000  }
0x83: {  	[bflag:$0x0] =	sbarrier.arrive $0xFFFF  }
0x84: {  	p0 =	sne.s32 s2, $0x0;
	_ =	strace $0x9000004D  }
0x85: {  	s0 =	sadd.s32 @!p0 $0x100000, s0;
	[bflag:$0x2] =	sbarrier.arrive $0xFFFF  }
0x86: {  	[sflag:s0] =	ssyncadd.tile.s32 @!p0 $0x1;
	_ =	shalt  }
.Lfunc_end2:
_tile_overlayer_lowered:
.L_overlay_start_2:
0x87: {  	(tag) =	ssettag $0x2  }
0x88: {  	s0 =	rddreg [dreg:$0x0];
	s2 =	stileid.u32  }
0x89: {  	s1 =	rddreg [dreg:$0x1];
	p0 =	sne.s32 s2, $0x0  }
0x8a: {  	s3 =	rddreg [dreg:$0x2];
	[bflag:$0x3] =	sbarrier.arrive $0xFFFF;
	s2 =	simm.s32 @!p0 $0x1C05  }
0x8b: {  	[timem:s3], [sflag:s2] =	dma.local @!p0 [hbm:s0], s1  }
0x8c: {  	s0 =	simm.s32 @!p0 $0x5  }
0x8d: {  	_ =	swait.ge @!p0 [sflag:s0], s1  }
0x8e: {  	s1 =	ssub.s32 @!p0 $0x0, s1;
	[sflag:s0] =	ssyncset.done @!p0 $0x0  }
0x8f: {  	[sflag:s0] =	ssyncadd.s32 @!p0 s1  }
0x90: {  	[bflag:$0x3] =	sbarrier.arrive $0xFFFF  }
0x91: {  	_ =	shalt  }

// kernel: kernel.8.cloned.1.call-start
scs
__scs_entry_jumppad:
0x0: {  	(pc) =	sbr.rel $0x88, $3  }
0x1: {  	(tag) =	ssettag $0x0;
	lr =	simm.s32 $0x1  }
0x2: {  	[smem:$0x3F99] =	sst lr;
	_ =	strace $0xD0000000  }
0x3: {  	_ = 	snop  }
0x4: {  	_ = 	snop  }
0x5: {  	_ = 	snop  }
0x6: {  	_ = 	snop  }
0x7: {  	_ = 	snop  }
__scs_overlays_trampoline_lowered:
0x8: {  	[smem:$0x3FA8] =	sst s0  }
0x9: {  	[smem:$0x3FA9] =	sst s1  }
0xa: {  	[smem:$0x3FAA] =	sst s2  }
0xb: {  	[smem:$0x3FAB] =	sst s3  }
0xc: {  	[smem:$0x3FAC] =	sst s4  }
0xd: {  	[smem:$0x3FAD] =	sst s5  }
0xe: {  	[smem:$0x3FAE] =	sst s6  }
0xf: {  	[smem:$0x3FAF] =	sst s7  }
0x10: {  	[smem:$0x3FB0] =	sst s8  }
0x11: {  	[smem:$0x3FB1] =	sst s9;
	s0 =	simm.s32 @!p0 $0x0  }
0x12: {  	s1 =	sld [smem:$0x3F97];
	s0 =	simm.s32 @p0 $0x1  }
0x13: {  	[smem:$0x3FB2] =	sst s0;
	s0 =	simm.s32 @!p1 $0x0  }
0x14: {  	s2 =	sld [smem:$0x3F96];
	s0 =	simm.s32 @p1 $0x1  }
0x15: {  	[smem:$0x3FB3] =	sst s0;
	s0 =	simm.s32 @!p2 $0x0  }
0x16: {  	s3 =	sld [smem:$0x3FDB];
	s0 =	simm.s32 @p2 $0x1  }
0x17: {  	s4 =	simm.s32 $0x1BF5;
	[smem:$0x3FB5] =	sst s0  }
0x18: {  	s0 =	sld [smem:$0x3F98];
	_ =	swait.ge [sflag:s4], $0x0  }
0x19: {  	s7 =	sld [smem:$0x3F99]  }
0x1a: {  	s8 =	sadd.s32 $0xFFFFE003, lr  }
0x1b: {  	s9 =	sadd.s32 $0xFFFFFEF7, lr;
	s5 =	simm.s32 $0xFFFFFFFF;
	p2 =	slt.u32 s8, $0xFFFFF086  }
0x1c: {  	p1 =	slt.u32 s9, $0xF7A;
	s5 =	simm.s32 @!p2 $0x0  }
0x1d: {  	s5 =	simm.s32 @p1 $0x1;
	p0 =	seq.s32 s7, s2  }
0x1e: {  	s7 =	smul.u32 @!p0 $0xF7A, s2;
	p2 =	seq.s32 @!p0 s5, $0x0  }
0x1f: {  	s9 =	smul.u32 $0xF7A, s1;
	s8 =	simm.s32 @!p0 $0x1BF5;
	p2 =	por !p2, p0  }
0x20: {  	[sflag:s8] =	ssyncset.s32 @!p0 $0xFFFFF086;
	s6 =	sadd.s32 @!p0 s3, s7;
	s7 =	simm.s32 @!p0 $0x108  }
0x21: {  	s3 =	sadd.s32 s3, s9;
	s6 =	sadd.s32 @!p0 $0x88, s6;
	s7 =	simm.s32 @p2 $0x1082  }
0x22: {  	[simem:s7], [sflag:s8] =	dma.local @!p0 [hbm:s6], $0xF7A  }
0x23: {  	s9 =	sor.u32 $0xD0000000, s2;
	s6 =	simm.s32 $0x108;
	_ =	swait.ge @!p0 [sflag:s8], $0x0  }
0x24: {  	s3 =	sadd.s32 $0x88, s3;
	s6 =	simm.s32 @!p1 $0x1082;
	[sflag:s4] =	ssyncset.s32 $0xFFFFF086  }
0x25: {  	[simem:s6], [sflag:s4] =	dma.local [hbm:s3], $0xF7A  }
0x26: {  	[smem:$0x3F99] =	sst s1;
	(tag) =	ssettag s2;
	_ =	strace s9  }
0x27: {  	s1 =	sld [smem:$0x3FA9]  }
0x28: {  	s2 =	sld [smem:$0x3FAA]  }
0x29: {  	s4 =	sld [smem:$0x3FAC]  }
0x2a: {  	p0 =	seq.s32 s5, $0x0;
	s5 =	sld [smem:$0x3FAD]  }
0x2b: {  	s6 =	sld [smem:$0x3FAE]  }
0x2c: {  	s7 =	sld [smem:$0x3FAF]  }
0x2d: {  	s3 =	simm.s32 $0x108;
	s8 =	sld [smem:$0x3FB0]  }
0x2e: {  	s3 =	simm.s32 @!p0 $0x1082;
	s9 =	sld [smem:$0x3FB1]  }
0x2f: {  	lr =	sadd.s32 s0, s3;
	s0 =	sld [smem:$0x3FA8]  }
0x30: {  	s3 =	sld [smem:$0x3FAB]  }
0x31: {  	[smem:$0x3FB4] =	sst s10  }
0x32: {  	s10 =	sld [smem:$0x3FB2];
	_ =	sdelay $0x3  }
0x33: {  	p0 =	seq.s32 s10, $0x1;
	s10 =	sld [smem:$0x3FB4];
	_ =	sdelay $0x3  }
0x34: {  	[smem:$0x3FB4] =	sst s10  }
0x35: {  	s10 =	sld [smem:$0x3FB3];
	_ =	sdelay $0x3  }
0x36: {  	p1 =	seq.s32 s10, $0x1;
	s10 =	sld [smem:$0x3FB4];
	_ =	sdelay $0x3  }
0x37: {  	[smem:$0x3FB4] =	sst s10  }
0x38: {  	s10 =	sld [smem:$0x3FB5]  }
0x39: {  	_ = 	snop;
	(pc) =	sbr.ind lr, $3  }
0x3a: {  	_ = 	snop  }
0x3b: {  	_ = 	snop  }
0x3c: {  	p2 =	seq.s32 s10, $0x1;
	s10 =	sld [smem:$0x3FB4]  }
0x3d: {  	_ =	shalt  }
0x3e: {  	_ =	shalt  }
0x3f: {  	_ =	shalt  }
0x40: {  	_ =	shalt  }
0x41: {  	_ =	shalt  }
0x42: {  	_ =	shalt  }
0x43: {  	_ =	shalt  }
0x44: {  	_ =	shalt  }
0x45: {  	_ =	shalt  }
0x46: {  	_ =	shalt  }
0x47: {  	_ =	shalt  }
0x48: {  	_ =	shalt  }
0x49: {  	_ =	shalt  }
0x4a: {  	_ =	shalt  }
0x4b: {  	_ =	shalt  }
0x4c: {  	_ =	shalt  }
0x4d: {  	_ =	shalt  }
0x4e: {  	_ =	shalt  }
0x4f: {  	_ =	shalt  }
0x50: {  	_ =	shalt  }
0x51: {  	_ =	shalt  }
0x52: {  	_ =	shalt  }
0x53: {  	_ =	shalt  }
0x54: {  	_ =	shalt  }
0x55: {  	_ =	shalt  }
0x56: {  	_ =	shalt  }
0x57: {  	_ =	shalt  }
0x58: {  	_ =	shalt  }
0x59: {  	_ =	shalt  }
0x5a: {  	_ =	shalt  }
0x5b: {  	_ =	shalt  }
0x5c: {  	_ =	shalt  }
0x5d: {  	_ =	shalt  }
0x5e: {  	_ =	shalt  }
0x5f: {  	_ =	shalt  }
0x60: {  	_ =	shalt  }
0x61: {  	_ =	shalt  }
0x62: {  	_ =	shalt  }
0x63: {  	_ =	shalt  }
0x64: {  	_ =	shalt  }
0x65: {  	_ =	shalt  }
0x66: {  	_ =	shalt  }
0x67: {  	_ =	shalt  }
0x68: {  	_ =	shalt  }
0x69: {  	_ =	shalt  }
0x6a: {  	_ =	shalt  }
0x6b: {  	_ =	shalt  }
0x6c: {  	_ =	shalt  }
0x6d: {  	_ =	shalt  }
0x6e: {  	_ =	shalt  }
0x6f: {  	_ =	shalt  }
0x70: {  	_ =	shalt  }
0x71: {  	_ =	shalt  }
0x72: {  	_ =	shalt  }
0x73: {  	_ =	shalt  }
0x74: {  	_ =	shalt  }
0x75: {  	_ =	shalt  }
0x76: {  	_ =	shalt  }
0x77: {  	_ =	shalt  }
0x78: {  	_ =	shalt  }
0x79: {  	_ =	shalt  }
0x7a: {  	_ =	shalt  }
0x7b: {  	_ =	shalt  }
0x7c: {  	_ =	shalt  }
0x7d: {  	_ =	shalt  }
0x7e: {  	_ =	shalt  }
0x7f: {  	_ =	shalt  }
0x80: {  	_ =	shalt  }
0x81: {  	_ =	shalt  }
0x82: {  	_ =	shalt  }
0x83: {  	_ =	shalt  }
0x84: {  	_ =	shalt  }
0x85: {  	_ =	shalt  }
0x86: {  	_ =	shalt  }
0x87: {  	_ =	shalt  }
.Lfunc_end0:
.L_simem_size_0:
called_computation_lowered:
.L_overlay_start_0:
0x88: {  	s2 =	sld [smem:$0x3FD9]  }
0x89: {  	s3 =	sld [smem:$0x3FFE];
	_ =	sdelay $0x1  }
0x8a: {  	s1 =	srdreg.scid  }
0x8b: {  	s0 =	sand.u32 $0x1, s1  }
0x8c: {  	s17 =	sshll.u32 s0, $0xA;
	s2 =	sadd.s32 s3, s2  }
0x8d: {  	s2 =	sadd.s32 s2, s17  }
0x8e: {  	[smem:$0x3FC0] =	sst s2  }
0x8f: {  	_ = 	snop  }
0x90: {  	s2 =	sld [smem:$0x3FD0];
	(tm) =	ssettm $0x1  }
0x91: {  	s18 =	sld [smem:$0x3FFB];
	_ =	sdelay $0x3  }
0x92: {  	_ =	strace s18  }
0x93: {  	s3 =	sld [smem:$0x3FFC];
	_ =	sdelay $0x3  }
0x94: {  	_ =	strace s3  }
0x95: {  	s3 =	sld [smem:$0x3FFD];
	_ =	sdelay $0x3  }
0x96: {  	_ =	strace s3  }
0x97: {  	_ =	strace $0x8FFFFFFF  }
0x98: {  	s19 =	sld [smem:$0x3FDB];
	_ =	sdelay $0x1  }
0x99: {  	s4 =	simm.s32 $_scs_section_size  }
0x9a: {  	s5 =	simm.s32 $_size__tile_overlayer_lowered;
	s6 =	simm.s32 $_tile_overlayer_lowered  }
0x9b: {  	s22 =	simm.s32 $0x1BFF;
	s21 =	sshll.u32 s6, $0x1;
	s3 =	sadd.s32 s4, s19  }
0x9c: {  	s7 =	simm.s32 $0x0;
	s20 =	sshll.u32 s5, $0x1;
	s5 =	sadd.s32 s21, s3  }
0x9d: {  	[timem:s7], [sflag:s22] =	dma.local [hbm:s5], s20  }
0x9e: {  	_ =	swait.ge [sflag:s22], s20  }
0x9f: {  	s4 =	ssub.s32 $0x0, s20;
	[sflag:s22] =	ssyncset.done $0x0  }
0xa0: {  	[sflag:s22] =	ssyncadd.s32 s4;
	_ =	sdelay $0x1  }
0xa1: {  	s23 =	simm.s32 $0x1B8B  }
0xa2: {  	_ =	swait.ge [sflag:s23], $0x1  }
0xa3: {  	[sflag:s23] =	ssyncset.done $0x0  }
0xa4: {  	s25 =	simm.s32 $0x1B8E;
	s24 =	sld [smem:$0x3FFE];
	[sflag:s23] =	ssyncadd.s32 $0xFFFFFFFF  }
0xa5: {  	s26 =	simm.s32 $execute0_lowered;
	[smem:$0x3FD2] =	sst s25  }
0xa6: {  	s5 =	sshll.u32 s26, $0x1;
	_ =	strace $0x80000046;
	[dreg:$0x1] =	wrdreg $0xFFFFFFFF  }
0xa7: {  	s28 =	simm.s32 $_size_execute0_lowered;
	s3 =	sadd.s32 s3, s5;
	[dreg:$0x0] =	wrdreg $0x0  }
0xa8: {  	s5 =	sshll.u32 s28, $0x1;
	[dreg:$0x2] =	wrdreg s3  }
0xa9: {  	[dreg:$0x3] =	wrdreg s5  }
0xaa: {  	[dreg:$0x4] =	wrdreg $0xC0  }
0xab: {  	_ =	task [dreg:s7], $0x5FFFF  }
0xac: {  	[dreg:$0x1] =	wrdreg $0xFFFFFFFF  }
0xad: {  	[dreg:$0x0] =	wrdreg $0x60  }
0xae: {  	[dreg:$0x2] =	wrdreg s2  }
0xaf: {  	[dreg:$0x3] =	wrdreg s24  }
0xb0: {  	[dreg:$0x4] =	wrdreg $0x9  }
0xb1: {  	_ =	task.clear_ibuf [dreg:s7], $0x5FFFF;
	_ =	strace $0x90000046  }
0xb2: {  	s29 =	simm.s32 $0x9;
	_ =	strace $0x80000048  }
0xb3: {  	_ =	swait.ge [sflag:s29], $0x1  }
0xb4: {  	[sflag:s29] =	ssyncadd.s32 $0xFFFFFFFF  }
0xb5: {  	_ =	strace $0x90000048  }
0xb6: {  	_ =	sfence  }
0xb7: {  	s30 =	sld [smem:$0x0];
	_ =	sdelay $0x2  }
0xb8: {  	s31 =	sshll.u32 s1, $0xD;
	s1 =	sshrl.u32 s1, $0x2  }
0xb9: {  	s3 =	sand.u32 $0x4000, s31;
	s1 =	sadd.s32 s1, s30  }
0xba: {  	s0 =	sor.u32 s3, s0;
	s1 =	sshll.u32 s1, $0x11  }
0xbb: {  	s0 =	sor.u32 s1, s0  }
0xbc: {  	s0 =	sadd.s32 $0x8F2B, s0  }
0xbd: {  	[sflag:s0] =	ssyncadd.remote.s32 $0x1  }
0xbe: {  	_ =	sfence.sel $0xFFFF  }
0xbf: {  	[dreg:$0x0] =	wrdreg $0xFFFFFFFF;
	(pc) =	sbr.abs _section_cstart, $3  }
0xc0: {  	[dreg:$0x1] =	wrdreg $0xFFFFFFFF  }
0xc1: {  	_ =	task.clear_ibuf [dreg:s7], $0x2FFFF;
	_ =	strace $0x9FFFFFFF  }
0xc2: {  	(tm) =	ssettm $0x7FFFFFFF  }
0xc3: {  	_ =	shalt  }
tec
execute0_lowered:
.L_overlay_start_1:
0x0: {  	(tag) =	ssettag $0x1  }
0x1: {  	s0 =	srdreg.scid;
	s4 =	rddreg [dreg:$0x0]  }
0x2: {  	s5 =	rddreg [dreg:$0x1];
	s2 =	simm.s32 $0x0;
	s3 =	sand.u32 $0x1, s0  }
0x3: {  	s10 =	simm.s32 $0x0;
	s0 =	stileid.u32;
	s1 =	sshll.u32 s3, $0x4  }
0x4: {  	s7 =	smul.u32 $0x28000, s3;
	s8 =	sshrl.u32 s0, $0x3;
	s1 =	sor.u32 s0, s1  }
0x5: {  	[smem:$0x7FF] =	sst s2;
	s8 =	smul.u32 $0x14000, s8;
	s1 =	sshrl.u32 s1, $0x3  }
0x6: {  	s9 =	sshll.u32 s0, $0x7;
	s3 =	ssub.s32 $0x2, s3;
	s6 =	smul.u32 $0x14000, s1  }
0x7: {  	s9 =	sand.u32 $0x380, s9;
	s31 =	sshrl.u32 s3, $0x1;
	s1 =	rddreg [dreg:$0x2]  }
0x8: {  	_ =	strace $0x80000047;
	s7 =	sadd.s32 s7, s8;
	s6 =	sor.u32 s9, s6  }
0x9: {  	s8 =	simm.s32 $0x1;
	s7 =	sor.u32 s9, s7;
	s6 =	sshrl.u32 s6, $0x3  }
0xa: {  	s7 =	sshrl.u32 s7, $0x3;
	s9 =	simm.s32 $0x2800;
	s5 =	sadd.s32 s6, s5  }
0xb: {  	s6 =	ssub.s32 s3, s31;
	s3 =	sadd.s32 s4, s7;
	s7 =	simm.s32 $0x400  }
0xc: {  	v0 =	vimm.f32 $0.0e+00;
	v1 =	vimm.f32 $1.000000000e+00;
	s4 =	sadd.s32 $0x2C00, s5;
	s5 =	smax.u32 s6, $0x1;
	s6 =	simm.s32 $0x80  }
.LBB2_1:
0xd: {  	[tilespmem:s2], [sflag:$0x1] =	stream.strided.gather [hbm4b:s3+s6], $0x2800, s7, s6, $0x38;
	[tilespmem:$0x5000] =	vst v63  }
0xe: {  	_ =	swait.ge [sflag:s8], $0x2800  }
0xf: {  	[sflag:s8] =	ssyncset.done $0x0  }
0x10: {  	s11 =	simm.s32 $0x0;
	[sflag:s8] =	ssyncadd.s32 $0xFFFFD800  }
.LBB2_2:
0x11: {  	p0 =	sne.s32 s11, $0x9FC0  }
.Ltmp0:
0x12: {  	_ = 	snop;
	(pc) =	sbr.rel @p0 .LBB2_2-.Ltmp0, $3  }
0x13: {  	_ =	sdelay $0x1  }
0x14: {  	s12 =	sshra.s32 s11, $0x2  }
0x15: {  	s11 =	sadd.s32 $0x40, s11;
	[tilespmem:s12+$0x2800] =	vst v0  }
0x16: {  	s12 =	simm.s32 $0x0;
	s11 =	simm.s32 $0x40  }
.LBB2_4:
0x17: {  	p0 =	sne.s32 s11, $0x9FC0;
	v2 =	vld [tilespmem:s12+$0x0];
	_ =	sdelay $0x3  }
.Ltmp1:
0x18: {  	(pc) =	sbr.rel @p0 .LBB2_4-.Ltmp1, $2  }
0x19: {  	_ =	sdelay $0x2  }
0x1a: {  	s12 =	sshra.s32 s11, $0x2;
	s11 =	sadd.s32 $0x40, s11;
	[tilespmem:v2+s9+$0x0] =	vst.idx.add.f32.msk $0xffff, v1  }
0x1b: {  	v2 =	vld [tilespmem:s12+$0x0];
	_ =	sdelay $0x5  }
0x1c: {  	s10 =	sadd.s32 $0x1, s10  }
0x1d: {  	p0 =	sne.s32 s10, s5  }
.Ltmp2:
0x1e: {  	[tilespmem:v2+s9+$0x0] =	vst.idx.add.f32.msk $0xffff, v1;
	(pc) =	sbr.rel @p0 .LBB2_1-.Ltmp2, $4  }
0x1f: {  	[hbm4b:s4+s6] =	stream.strided.scatter [tilespmem:s9], [sflag:$0x1], $0x2800, s7, s6, $0x38;
	[tilespmem:$0x5000] =	vst v63  }
0x20: {  	_ =	swait.ge [sflag:s8], $0x2800  }
0x21: {  	[sflag:s8] =	ssyncset.done $0x0  }
0x22: {  	[sflag:s8] =	ssyncadd.s32 $0xFFFFD800  }
0x23: {  	_ =	sfence.sel $0x180000  }
0x24: {  	[bflag:$0x0] =	sbarrier.arrive $0xFFFF  }
0x25: {  	p0 =	sne.s32 s0, $0x0;
	_ =	strace $0x90000047  }
0x26: {  	s0 =	sadd.s32 @!p0 $0x100000, s1;
	[bflag:$0x2] =	sbarrier.arrive $0xFFFF  }
0x27: {  	[sflag:s0] =	ssyncadd.tile.s32 @!p0 $0x1;
	_ =	shalt  }
.Lfunc_end2:
_tile_overlayer_lowered:
.L_overlay_start_2:
0x28: {  	(tag) =	ssettag $0x2  }
0x29: {  	s0 =	rddreg [dreg:$0x0];
	s2 =	stileid.u32  }
0x2a: {  	s1 =	rddreg [dreg:$0x1];
	p0 =	sne.s32 s2, $0x0  }
0x2b: {  	s3 =	rddreg [dreg:$0x2];
	[bflag:$0x3] =	sbarrier.arrive $0xFFFF;
	s2 =	simm.s32 @!p0 $0x1C01  }
0x2c: {  	[timem:s3], [sflag:s2] =	dma.local @!p0 [hbm:s0], s1  }
0x2d: {  	s0 =	simm.s32 @!p0 $0x1  }
0x2e: {  	_ =	swait.ge @!p0 [sflag:s0], s1  }
0x2f: {  	s1 =	ssub.s32 @!p0 $0x0, s1;
	[sflag:s0] =	ssyncset.done @!p0 $0x0  }
0x30: {  	[sflag:s0] =	ssyncadd.s32 @!p0 s1  }
0x31: {  	[bflag:$0x3] =	sbarrier.arrive $0xFFFF  }
0x32: {  	_ =	shalt  }

</sc_bundles>
